<compile_context>
chip_gen: v7x
topology: tpu7x:2x2x1
jax: 0.10.2.dev20260603
libtpu: 0.0.44.dev20260713+nightly
codegen_flags: <defaults>
</compile_context>

<pallas_src>
import functools

import jax
import jax.numpy as jnp
from jax import lax
from jax.experimental import pallas as pl
from jax.experimental.pallas import tpu as pltpu
from jax.experimental.pallas import tpu_sc as plsc

_VOCAB = 100000
_DIM = 32
_B = 4096
_L = 50

_NC = 2
_NS = 16
_NW = _NC * _NS
_BCOLS = _B // _NW
_GROUP = 16
_CHUNK = _GROUP * _L
_NSTREAM = _BCOLS // _GROUP
_NBUF = 2


def _make_sc_gather():
    mesh = plsc.VectorSubcoreMesh(core_axis_name="c", subcore_axis_name="s")

    @functools.partial(
        pl.kernel,
        mesh=mesh,
        out_type=jax.ShapeDtypeStruct((_L, _DIM, _B), jnp.float32),
        scratch_types=[
            pltpu.VMEM((_L, _BCOLS), jnp.int32),
            pltpu.VMEM((_NSTREAM * _CHUNK,), jnp.int32),
            pltpu.VMEM((_NBUF, _CHUNK, _DIM), jnp.float32),
            pltpu.VMEM((_NBUF, _L, _DIM, _GROUP), jnp.float32),
            pltpu.SemaphoreType.DMA((_NBUF,)),
            pltpu.SemaphoreType.DMA((_NBUF,)),
        ],
        compiler_params=pltpu.CompilerParams(
            use_tc_tiling_on_sc=False, needs_layout_passes=False),
    )
    def sc_gather(idx_hbm, table_hbm, out_hbm, idx_v, flat_v, bufs, tbufs,
                  gsem, osem):
        wid = lax.axis_index("s") * _NC + lax.axis_index("c")
        col0 = wid * _BCOLS
        pltpu.sync_copy(idx_hbm.at[:, pl.ds(col0, _BCOLS)], idx_v)

        def build(i, carry):
            j = i // _L
            l = i - j * _L
            v = idx_v[l, pl.ds(j * _GROUP, _GROUP)]
            flat_v[pl.ds(j * _CHUNK + l * _GROUP, _GROUP)] = v
            return carry

        lax.fori_loop(0, _NSTREAM * _L, build, 0)

        def gather(j, b):
            return pltpu.make_async_copy(
                table_hbm.at[flat_v.at[pl.ds(j * _CHUNK, _CHUNK)]],
                bufs.at[b], gsem.at[b])

        def writeback(j, b):
            return pltpu.make_async_copy(
                tbufs.at[b],
                out_hbm.at[:, :, pl.ds(col0 + j * _GROUP, _GROUP)],
                osem.at[b])

        lane = lax.iota(jnp.int32, 16)

        def transpose(b):
            def trow(l, carry):
                lv = jnp.full((16,), 0, jnp.int32) + l
                for g in range(_GROUP):
                    gv = jnp.full((16,), g, jnp.int32)
                    for d0 in (0, 16):
                        v = bufs[b, l * _GROUP + g, pl.ds(d0, 16)]
                        plsc.store_scatter(
                            tbufs.at[b], [lv, d0 + lane, gv], v)
                return carry

            lax.fori_loop(0, _L, trow, 0)

        for j in range(_NBUF):
            gather(j, j).start()

        def body(j, carry):
            b = lax.rem(j, _NBUF)
            gather(j, b).wait()

            @pl.when(j >= _NBUF)
            def _():
                writeback(j - _NBUF, b).wait()

            transpose(b)
            writeback(j, b).start()

            @pl.when(j + _NBUF < _NSTREAM)
            def _():
                gather(j + _NBUF, b).start()

            return carry

        lax.fori_loop(0, _NSTREAM, body, 0)

        for j in range(_NSTREAM - _NBUF, _NSTREAM):
            writeback(j, j % _NBUF).wait()

    return sc_gather


_sc_gather = _make_sc_gather()


def kernel(words_seq, table):
    out_t = _sc_gather(words_seq.T, table)
    return jnp.transpose(out_t, (2, 0, 1))

# --- scband reference (transcript-rebuilt; emitter-appended) ---
"""Pipeline reference for scband-char-embeddings-34205119545751 (READ-ONLY COPY).

The authoritative reference and input builder live on the scoring server;
editing this copy changes nothing except your own understanding.
"""

import jax, jax.numpy as jnp
import numpy as np

VOCAB = 100000
DIM = 32
B = 4096
L = 50


def setup_inputs(seed: int = 0) -> dict:
    key = jax.random.key(seed)
    k1, k2 = jax.random.split(key)
    table = jax.random.normal(k1, (VOCAB, DIM), dtype=jnp.float32)
    # nn.Embedding(padding_idx=0): row 0 is the zero padding vector
    table = table.at[0].set(0.0)
    words_seq = jax.random.randint(k2, (B, L), 0, VOCAB, dtype=jnp.int32)
    return {"words_seq": words_seq, "table": table}


def reference(words_seq, table):
    # char_embeds = self.embeddings(words_seq)
    char_embeds = jnp.take(table, words_seq, axis=0)
    # dropout is identity in eval mode
    return char_embeds

if __name__ == "__main__":
    import jax
    _d = setup_inputs()
    print(jax.jit(kernel)(*tuple(_d.values())))

</pallas_src>

<mosaic_0001>
#map = affine_map<(d0, d1) -> (0, 0)>
#map1 = affine_map<(d0, d1) -> (0, 0, 0)>
module attributes {stable_mosaic.version = 14 : i64} {
  func.func @sc_gather(%arg0: i32, %arg1: i32, %arg2: memref<50x4096xi32, #tpu.memory_space<hbm>>, %arg3: memref<100000x32xf32, #tpu.memory_space<hbm>>, %arg4: memref<50x32x4096xf32, #tpu.memory_space<hbm>>, %arg5: memref<50x128xi32, #tpu.memory_space<vmem>>, %arg6: memref<6400xi32, #tpu.memory_space<vmem>>, %arg7: memref<2x800x32xf32, #tpu.memory_space<vmem>>, %arg8: memref<2x50x32x16xf32, #tpu.memory_space<vmem>>, %arg9: memref<2x!tpu.dma_semaphore, #tpu.memory_space<semaphore_mem>>, %arg10: memref<2x!tpu.dma_semaphore, #tpu.memory_space<semaphore_mem>>) attributes {dimension_semantics = [#tpu.dimension_semantics<core_parallel>, #tpu.dimension_semantics<subcore_parallel>], iteration_bounds = array<i64: 2, 16>, scalar_prefetch = 0 : i64, scratch_operands = 6 : i64, tpu.core_type = #tpu.core_type<sc_vector_subcore>, window_params = [{transform_indices = #map}, {transform_indices = #map}, {transform_indices = #map1}]} {
    %mul3A = arith.constant 2 : i32
    %mul3A_0 = arith.muli %arg1, %mul3A : i32
    %add3A = arith.addi %mul3A_0, %arg0 : i32
    %mul3A_1 = arith.constant 128 : i32
    %mul3A_2 = arith.muli %add3A, %mul3A_1 : i32
    "tpu.region"() ({
      %run_scoped3A = tpu.sem_alloc : memref<!tpu.dma_semaphore, #tpu.memory_space<semaphore_mem>>
      %dma_start3A_82 = arith.constant 0 : i32
      %dma_start3A_83 = tpu.memref_slice %arg2[%dma_start3A_82, %mul3A_2] : memref<50x4096xi32, #tpu.memory_space<hbm>> -> memref<50x128xi32, #tpu.memory_space<hbm>>
      %dma_start3A_84 = arith.constant 0 : i32
      %dma_start3A_85 = tpu.memref_slice %arg2[%dma_start3A_84, %mul3A_2] : memref<50x4096xi32, #tpu.memory_space<hbm>> -> memref<50x128xi32, #tpu.memory_space<hbm>>
      tpu.enqueue_dma source(%dma_start3A_85 : memref<50x128xi32, #tpu.memory_space<hbm>>) target(%arg5 : memref<50x128xi32, #tpu.memory_space<vmem>>) target_semaphore(%run_scoped3A : memref<!tpu.dma_semaphore, #tpu.memory_space<semaphore_mem>>)
      %dma_wait3A_86 = arith.constant 0 : i32
      %dma_wait3A_87 = tpu.memref_slice %arg2[%dma_wait3A_86, %mul3A_2] : memref<50x4096xi32, #tpu.memory_space<hbm>> -> memref<50x128xi32, #tpu.memory_space<hbm>>
      %dma_wait3A_88 = arith.constant 0 : i32
      %dma_wait3A_89 = tpu.memref_slice %arg2[%dma_wait3A_88, %mul3A_2] : memref<50x4096xi32, #tpu.memory_space<hbm>> -> memref<50x128xi32, #tpu.memory_space<hbm>>
      tpu.wait_dma2 semaphore(%run_scoped3A : memref<!tpu.dma_semaphore, #tpu.memory_space<semaphore_mem>>) src(%dma_wait3A_89 : memref<50x128xi32, #tpu.memory_space<hbm>>) dst(%arg5 : memref<50x128xi32, #tpu.memory_space<vmem>>)
      tpu.yield
    }) : () -> ()
    %scan3A = arith.constant 0 : i32
    %scan3A_3 = arith.constant 0 : i32
    %scan3A_4 = arith.constant 400 : i32
    %scan3A_5 = arith.addi %scan3A_3, %scan3A_4 : i32
    %scan3A_6 = arith.constant 1 : i32
    scf.for %scan3A_82 = %scan3A_3 to %scan3A_5 step %scan3A_6  : i32 {
      %jit3A = arith.constant 50 : i32
      %div3A = arith.divsi %scan3A_82, %jit3A : i32
      %sign3A = arith.constant 0 : i32
      %sign3A_83 = arith.cmpi sgt, %scan3A_82, %sign3A : i32
      %sign3A_84 = arith.extui %sign3A_83 : i1 to i32
      %sign3A_85 = arith.constant 0 : i32
      %sign3A_86 = arith.cmpi slt, %scan3A_82, %sign3A_85 : i32
      %sign3A_87 = arith.extui %sign3A_86 : i1 to i32
      %sign3A_88 = arith.subi %sign3A_84, %sign3A_87 : i32
      %sign3A_89 = arith.constant 0 : i32
      %sign3A_90 = arith.cmpi sgt, %jit3A, %sign3A_89 : i32
      %sign3A_91 = arith.extui %sign3A_90 : i1 to i32
      %sign3A_92 = arith.constant 0 : i32
      %sign3A_93 = arith.cmpi slt, %jit3A, %sign3A_92 : i32
      %sign3A_94 = arith.extui %sign3A_93 : i1 to i32
      %sign3A_95 = arith.subi %sign3A_91, %sign3A_94 : i32
      %ne3A = arith.cmpi ne, %sign3A_88, %sign3A_95 : i32
      %rem3A = arith.remsi %scan3A_82, %jit3A : i32
      %ne3A_96 = arith.constant 0 : i32
      %ne3A_97 = arith.cmpi ne, %rem3A, %ne3A_96 : i32
      %and3A = arith.andi %ne3A, %ne3A_97 : i1
      %sub3A = arith.constant 1 : i32
      %sub3A_98 = arith.subi %div3A, %sub3A : i32
      %select_n3A = arith.select %and3A, %sub3A_98, %div3A : i32
      %mul3A_99 = arith.constant 50 : i32
      %mul3A_100 = arith.muli %select_n3A, %mul3A_99 : i32
      %sub3A_101 = arith.subi %scan3A_82, %mul3A_100 : i32
      %mul3A_102 = arith.constant 16 : i32
      %mul3A_103 = arith.muli %select_n3A, %mul3A_102 : i32
      %get3A = arith.index_cast %sub3A_101 : i32 to index
      %get3A_104 = arith.index_cast %mul3A_103 : i32 to index
      %get3A_105 = tpu.vector_load %arg5[%get3A, %get3A_104] {strides = array<i32>} : memref<50x128xi32, #tpu.memory_space<vmem>>, vector<16xi32>,
      %mul3A_106 = arith.constant 800 : i32
      %mul3A_107 = arith.muli %select_n3A, %mul3A_106 : i32
      %mul3A_108 = arith.constant 16 : i32
      %mul3A_109 = arith.muli %sub3A_101, %mul3A_108 : i32
      %add3A_110 = arith.addi %mul3A_107, %mul3A_109 : i32
      %swap3A = arith.index_cast %add3A_110 : i32 to index
      %swap3A_111 = tpu.vector_load %arg6[%swap3A] {strides = array<i32>} : memref<6400xi32, #tpu.memory_space<vmem>>, vector<16xi32>,
      tpu.vector_store %arg6[%swap3A], %get3A_105 {strides = array<i32>} : memref<6400xi32, #tpu.memory_space<vmem>>, vector<16xi32>,
    }
    %scan3A_7 = arith.constant 400 : i32
    %iota3A = tpu.iota {dimensions = array<i32: 0>} : vector<16xi32>
    %dma_start3A = arith.constant 0 : i32
    %dma_start3A_8 = arith.constant 0 : i32
    %dma_start3A_9 = arith.constant 0 : i32
    %dma_start3A_10 = arith.constant 0 : i32
    %dma_start3A_11 = tpu.memref_slice %arg7[%dma_start3A, %dma_start3A_9, %dma_start3A_10] : memref<2x800x32xf32, #tpu.memory_space<vmem>> -> memref<1x800x32xf32, #tpu.memory_space<vmem>>
    %dma_start3A_12 = tpu.memref_squeeze %dma_start3A_11 : memref<1x800x32xf32, #tpu.memory_space<vmem>> -> memref<800x32xf32, #tpu.memory_space<vmem>>
    %dma_start3A_13 = arith.constant 0 : i32
    %dma_start3A_14 = tpu.memref_slice %arg6[%dma_start3A_13] : memref<6400xi32, #tpu.memory_space<vmem>> -> memref<800xi32, #tpu.memory_space<vmem>>
    %dma_start3A_15 = arith.constant 0 : i32
    %dma_start3A_16 = arith.constant 0 : i32
    %dma_start3A_17 = tpu.memref_slice %arg3[%dma_start3A_15, %dma_start3A_16] : memref<100000x32xf32, #tpu.memory_space<hbm>> -> memref<100000x32xf32, #tpu.memory_space<hbm>>
    %dma_start3A_18 = tpu.memref_slice %arg9[%dma_start3A_8] : memref<2x!tpu.dma_semaphore, #tpu.memory_space<semaphore_mem>> -> memref<1x!tpu.dma_semaphore, #tpu.memory_space<semaphore_mem>>
    %dma_start3A_19 = tpu.memref_squeeze %dma_start3A_18 : memref<1x!tpu.dma_semaphore, #tpu.memory_space<semaphore_mem>> -> memref<!tpu.dma_semaphore, #tpu.memory_space<semaphore_mem>>
    tpu.enqueue_indirect_dma source(%dma_start3A_17 : memref<100000x32xf32, #tpu.memory_space<hbm>>) target(%dma_start3A_12 : memref<800x32xf32, #tpu.memory_space<vmem>>) offsets(%dma_start3A_14 : memref<800xi32, #tpu.memory_space<vmem>>) semaphore(%dma_start3A_19 : memref<!tpu.dma_semaphore, #tpu.memory_space<semaphore_mem>>)
    %dma_start3A_20 = arith.constant 1 : i32
    %dma_start3A_21 = arith.constant 1 : i32
    %dma_start3A_22 = arith.constant 0 : i32
    %dma_start3A_23 = arith.constant 0 : i32
    %dma_start3A_24 = tpu.memref_slice %arg7[%dma_start3A_20, %dma_start3A_22, %dma_start3A_23] : memref<2x800x32xf32, #tpu.memory_space<vmem>> -> memref<1x800x32xf32, #tpu.memory_space<vmem>>
    %dma_start3A_25 = tpu.memref_squeeze %dma_start3A_24 : memref<1x800x32xf32, #tpu.memory_space<vmem>> -> memref<800x32xf32, #tpu.memory_space<vmem>>
    %dma_start3A_26 = arith.constant 800 : i32
    %dma_start3A_27 = tpu.memref_slice %arg6[%dma_start3A_26] : memref<6400xi32, #tpu.memory_space<vmem>> -> memref<800xi32, #tpu.memory_space<vmem>>
    %dma_start3A_28 = arith.constant 0 : i32
    %dma_start3A_29 = arith.constant 0 : i32
    %dma_start3A_30 = tpu.memref_slice %arg3[%dma_start3A_28, %dma_start3A_29] : memref<100000x32xf32, #tpu.memory_space<hbm>> -> memref<100000x32xf32, #tpu.memory_space<hbm>>
    %dma_start3A_31 = tpu.memref_slice %arg9[%dma_start3A_21] : memref<2x!tpu.dma_semaphore, #tpu.memory_space<semaphore_mem>> -> memref<1x!tpu.dma_semaphore, #tpu.memory_space<semaphore_mem>>
    %dma_start3A_32 = tpu.memref_squeeze %dma_start3A_31 : memref<1x!tpu.dma_semaphore, #tpu.memory_space<semaphore_mem>> -> memref<!tpu.dma_semaphore, #tpu.memory_space<semaphore_mem>>
    tpu.enqueue_indirect_dma source(%dma_start3A_30 : memref<100000x32xf32, #tpu.memory_space<hbm>>) target(%dma_start3A_25 : memref<800x32xf32, #tpu.memory_space<vmem>>) offsets(%dma_start3A_27 : memref<800xi32, #tpu.memory_space<vmem>>) semaphore(%dma_start3A_32 : memref<!tpu.dma_semaphore, #tpu.memory_space<semaphore_mem>>)
    %scan3A_33 = arith.constant 0 : i32
    %scan3A_34 = arith.constant 0 : i32
    %scan3A_35 = arith.constant 8 : i32
    %scan3A_36 = arith.addi %scan3A_34, %scan3A_35 : i32
    %scan3A_37 = arith.constant 1 : i32
    scf.for %scan3A_82 = %scan3A_34 to %scan3A_36 step %scan3A_37  : i32 {
      %rem3A = arith.constant 2 : i32
      %rem3A_83 = arith.remsi %scan3A_82, %rem3A : i32
      %mul3A_84 = arith.constant 800 : i32
      %mul3A_85 = arith.muli %scan3A_82, %mul3A_84 : i32
      %dma_wait3A_86 = arith.constant 0 : i32
      %dma_wait3A_87 = arith.constant 0 : i32
      %dma_wait3A_88 = tpu.memref_slice %arg7[%rem3A_83, %dma_wait3A_86, %dma_wait3A_87] : memref<2x800x32xf32, #tpu.memory_space<vmem>> -> memref<1x800x32xf32, #tpu.memory_space<vmem>>
      %dma_wait3A_89 = tpu.memref_squeeze %dma_wait3A_88 : memref<1x800x32xf32, #tpu.memory_space<vmem>> -> memref<800x32xf32, #tpu.memory_space<vmem>>
      %dma_wait3A_90 = tpu.memref_slice %arg6[%mul3A_85] : memref<6400xi32, #tpu.memory_space<vmem>> -> memref<800xi32, #tpu.memory_space<vmem>>
      %dma_wait3A_91 = arith.constant 0 : i32
      %dma_wait3A_92 = arith.constant 0 : i32
      %dma_wait3A_93 = tpu.memref_slice %arg3[%dma_wait3A_91, %dma_wait3A_92] : memref<100000x32xf32, #tpu.memory_space<hbm>> -> memref<100000x32xf32, #tpu.memory_space<hbm>>
      %dma_wait3A_94 = tpu.memref_slice %arg9[%rem3A_83] : memref<2x!tpu.dma_semaphore, #tpu.memory_space<semaphore_mem>> -> memref<1x!tpu.dma_semaphore, #tpu.memory_space<semaphore_mem>>
      %dma_wait3A_95 = tpu.memref_squeeze %dma_wait3A_94 : memref<1x!tpu.dma_semaphore, #tpu.memory_space<semaphore_mem>> -> memref<!tpu.dma_semaphore, #tpu.memory_space<semaphore_mem>>
      tpu.wait_indirect_dma semaphore(%dma_wait3A_95 : memref<!tpu.dma_semaphore, #tpu.memory_space<semaphore_mem>>) src(%dma_wait3A_93 : memref<100000x32xf32, #tpu.memory_space<hbm>>) dst(%dma_wait3A_89 : memref<800x32xf32, #tpu.memory_space<vmem>>)
      %ge3A = arith.constant 2 : i32
      %ge3A_96 = arith.cmpi sge, %scan3A_82, %ge3A : i32
      %convert_element_type3A = arith.extui %ge3A_96 : i1 to i32
      %cond3A = arith.constant 0 : i32
      %cond3A_97 = arith.cmpi ne, %convert_element_type3A, %cond3A : i32
      scf.if %cond3A_97 {
        %sub3A = arith.constant 2 : i32
        %sub3A_131 = arith.subi %scan3A_82, %sub3A : i32
        %mul3A_132 = arith.constant 16 : i32
        %mul3A_133 = arith.muli %sub3A_131, %mul3A_132 : i32
        %add3A_134 = arith.addi %mul3A_2, %mul3A_133 : i32
        %dma_wait3A_135 = arith.constant 0 : i32
        %dma_wait3A_136 = arith.constant 0 : i32
        %dma_wait3A_137 = arith.constant 0 : i32
        %dma_wait3A_138 = tpu.memref_slice %arg8[%rem3A_83, %dma_wait3A_135, %dma_wait3A_136, %dma_wait3A_137] : memref<2x50x32x16xf32, #tpu.memory_space<vmem>> -> memref<1x50x32x16xf32, #tpu.memory_space<vmem>>
        %dma_wait3A_139 = tpu.memref_squeeze %dma_wait3A_138 : memref<1x50x32x16xf32, #tpu.memory_space<vmem>> -> memref<50x32x16xf32, #tpu.memory_space<vmem>>
        %dma_wait3A_140 = arith.constant 0 : i32
        %dma_wait3A_141 = arith.constant 0 : i32
        %dma_wait3A_142 = tpu.memref_slice %arg4[%dma_wait3A_140, %dma_wait3A_141, %add3A_134] : memref<50x32x4096xf32, #tpu.memory_space<hbm>> -> memref<50x32x16xf32, #tpu.memory_space<hbm>>
        %dma_wait3A_143 = tpu.memref_slice %arg10[%rem3A_83] : memref<2x!tpu.dma_semaphore, #tpu.memory_space<semaphore_mem>> -> memref<1x!tpu.dma_semaphore, #tpu.memory_space<semaphore_mem>>
        %dma_wait3A_144 = tpu.memref_squeeze %dma_wait3A_143 : memref<1x!tpu.dma_semaphore, #tpu.memory_space<semaphore_mem>> -> memref<!tpu.dma_semaphore, #tpu.memory_space<semaphore_mem>>
        %dma_wait3A_145 = arith.constant 0 : i32
        %dma_wait3A_146 = arith.constant 0 : i32
        %dma_wait3A_147 = tpu.memref_slice %arg4[%dma_wait3A_145, %dma_wait3A_146, %add3A_134] : memref<50x32x4096xf32, #tpu.memory_space<hbm>> -> memref<50x32x16xf32, #tpu.memory_space<hbm>>
        %dma_wait3A_148 = arith.constant 0 : i32
        %dma_wait3A_149 = arith.constant 0 : i32
        %dma_wait3A_150 = arith.constant 0 : i32
        %dma_wait3A_151 = tpu.memref_slice %arg8[%rem3A_83, %dma_wait3A_148, %dma_wait3A_149, %dma_wait3A_150] : memref<2x50x32x16xf32, #tpu.memory_space<vmem>> -> memref<1x50x32x16xf32, #tpu.memory_space<vmem>>
        %dma_wait3A_152 = tpu.memref_squeeze %dma_wait3A_151 : memref<1x50x32x16xf32, #tpu.memory_space<vmem>> -> memref<50x32x16xf32, #tpu.memory_space<vmem>>
        tpu.wait_dma2 semaphore(%dma_wait3A_144 : memref<!tpu.dma_semaphore, #tpu.memory_space<semaphore_mem>>) src(%dma_wait3A_152 : memref<50x32x16xf32, #tpu.memory_space<vmem>>) dst(%dma_wait3A_147 : memref<50x32x16xf32, #tpu.memory_space<hbm>>)
      } else {
      }
      %scan3A_98 = arith.constant 0 : i32
      %scan3A_99 = arith.constant 0 : i32
      %scan3A_100 = arith.constant 50 : i32
      %scan3A_101 = arith.addi %scan3A_99, %scan3A_100 : i32
      %scan3A_102 = arith.constant 1 : i32
      scf.for %scan3A_131 = %scan3A_99 to %scan3A_101 step %scan3A_102  : i32 {
        %broadcast_in_dim3A = arith.constant 0 : i32
        %broadcast_in_dim3A_132 = vector.broadcast %broadcast_in_dim3A : i32 to vector<16xi32>
        %add3A_133 = vector.broadcast %scan3A_131 : i32 to vector<16xi32>
        %add3A_134 = arith.addi %broadcast_in_dim3A_132, %add3A_133 : vector<16xi32>
        %broadcast_in_dim3A_135 = arith.constant 0 : i32
        %broadcast_in_dim3A_136 = vector.broadcast %broadcast_in_dim3A_135 : i32 to vector<16xi32>
        %mul3A_137 = arith.constant 16 : i32
        %mul3A_138 = arith.muli %scan3A_131, %mul3A_137 : i32
        %add3A_139 = arith.constant 0 : i32
        %add3A_140 = arith.addi %mul3A_138, %add3A_139 : i32
        %get3A = arith.index_cast %rem3A_83 : i32 to index
        %get3A_141 = arith.index_cast %add3A_140 : i32 to index
        %get3A_142 = arith.constant 0 : index
        %get3A_143 = tpu.vector_load %arg7[%get3A, %get3A_141, %get3A_142] {strides = array<i32>} : memref<2x800x32xf32, #tpu.memory_space<vmem>>, vector<16xf32>,
        %add3A_144 = arith.constant 0 : i32
        %add3A_145 = vector.broadcast %add3A_144 : i32 to vector<16xi32>
        %add3A_146 = arith.addi %add3A_145, %iota3A : vector<16xi32>
        %scatter3A = arith.constant 0 : i32
        %scatter3A_147 = arith.constant 0 : i32
        %scatter3A_148 = arith.constant 0 : i32
        %scatter3A_149 = tpu.memref_slice %arg8[%rem3A_83, %scatter3A, %scatter3A_147, %scatter3A_148] : memref<2x50x32x16xf32, #tpu.memory_space<vmem>> -> memref<1x50x32x16xf32, #tpu.memory_space<vmem>>
        %scatter3A_150 = tpu.memref_squeeze %scatter3A_149 : memref<1x50x32x16xf32, #tpu.memory_space<vmem>> -> memref<50x32x16xf32, #tpu.memory_space<vmem>>
        tpu.vector_store_idx %scatter3A_150[%add3A_134, %add3A_146, %broadcast_in_dim3A_136], %get3A_143 : memref<50x32x16xf32, #tpu.memory_space<vmem>>[vector<16xi32>, vector<16xi32>, vector<16xi32>], vector<16xf32>,
        %mul3A_151 = arith.constant 16 : i32
        %mul3A_152 = arith.muli %scan3A_131, %mul3A_151 : i32
        %add3A_153 = arith.constant 0 : i32
        %add3A_154 = arith.addi %mul3A_152, %add3A_153 : i32
        %get3A_155 = arith.index_cast %rem3A_83 : i32 to index
        %get3A_156 = arith.index_cast %add3A_154 : i32 to index
        %get3A_157 = arith.constant 16 : index
        %get3A_158 = tpu.vector_load %arg7[%get3A_155, %get3A_156, %get3A_157] {strides = array<i32>} : memref<2x800x32xf32, #tpu.memory_space<vmem>>, vector<16xf32>,
        %add3A_159 = arith.constant 16 : i32
        %add3A_160 = vector.broadcast %add3A_159 : i32 to vector<16xi32>
        %add3A_161 = arith.addi %add3A_160, %iota3A : vector<16xi32>
        %scatter3A_162 = arith.constant 0 : i32
        %scatter3A_163 = arith.constant 0 : i32
        %scatter3A_164 = arith.constant 0 : i32
        %scatter3A_165 = tpu.memref_slice %arg8[%rem3A_83, %scatter3A_162, %scatter3A_163, %scatter3A_164] : memref<2x50x32x16xf32, #tpu.memory_space<vmem>> -> memref<1x50x32x16xf32, #tpu.memory_space<vmem>>
        %scatter3A_166 = tpu.memref_squeeze %scatter3A_165 : memref<1x50x32x16xf32, #tpu.memory_space<vmem>> -> memref<50x32x16xf32, #tpu.memory_space<vmem>>
        tpu.vector_store_idx %scatter3A_166[%add3A_134, %add3A_161, %broadcast_in_dim3A_136], %get3A_158 : memref<50x32x16xf32, #tpu.memory_space<vmem>>[vector<16xi32>, vector<16xi32>, vector<16xi32>], vector<16xf32>,
        %broadcast_in_dim3A_167 = arith.constant 1 : i32
        %broadcast_in_dim3A_168 = vector.broadcast %broadcast_in_dim3A_167 : i32 to vector<16xi32>
        %mul3A_169 = arith.constant 16 : i32
        %mul3A_170 = arith.muli %scan3A_131, %mul3A_169 : i32
        %add3A_171 = arith.constant 1 : i32
        %add3A_172 = arith.addi %mul3A_170, %add3A_171 : i32
        %get3A_173 = arith.index_cast %rem3A_83 : i32 to index
        %get3A_174 = arith.index_cast %add3A_172 : i32 to index
        %get3A_175 = arith.constant 0 : index
        %get3A_176 = tpu.vector_load %arg7[%get3A_173, %get3A_174, %get3A_175] {strides = array<i32>} : memref<2x800x32xf32, #tpu.memory_space<vmem>>, vector<16xf32>,
        %add3A_177 = arith.constant 0 : i32
        %add3A_178 = vector.broadcast %add3A_177 : i32 to vector<16xi32>
        %add3A_179 = arith.addi %add3A_178, %iota3A : vector<16xi32>
        %scatter3A_180 = arith.constant 0 : i32
        %scatter3A_181 = arith.constant 0 : i32
        %scatter3A_182 = arith.constant 0 : i32
        %scatter3A_183 = tpu.memref_slice %arg8[%rem3A_83, %scatter3A_180, %scatter3A_181, %scatter3A_182] : memref<2x50x32x16xf32, #tpu.memory_space<vmem>> -> memref<1x50x32x16xf32, #tpu.memory_space<vmem>>
        %scatter3A_184 = tpu.memref_squeeze %scatter3A_183 : memref<1x50x32x16xf32, #tpu.memory_space<vmem>> -> memref<50x32x16xf32, #tpu.memory_space<vmem>>
        tpu.vector_store_idx %scatter3A_184[%add3A_134, %add3A_179, %broadcast_in_dim3A_168], %get3A_176 : memref<50x32x16xf32, #tpu.memory_space<vmem>>[vector<16xi32>, vector<16xi32>, vector<16xi32>], vector<16xf32>,
        %mul3A_185 = arith.constant 16 : i32
        %mul3A_186 = arith.muli %scan3A_131, %mul3A_185 : i32
        %add3A_187 = arith.constant 1 : i32
        %add3A_188 = arith.addi %mul3A_186, %add3A_187 : i32
        %get3A_189 = arith.index_cast %rem3A_83 : i32 to index
        %get3A_190 = arith.index_cast %add3A_188 : i32 to index
        %get3A_191 = arith.constant 16 : index
        %get3A_192 = tpu.vector_load %arg7[%get3A_189, %get3A_190, %get3A_191] {strides = array<i32>} : memref<2x800x32xf32, #tpu.memory_space<vmem>>, vector<16xf32>,
        %add3A_193 = arith.constant 16 : i32
        %add3A_194 = vector.broadcast %add3A_193 : i32 to vector<16xi32>
        %add3A_195 = arith.addi %add3A_194, %iota3A : vector<16xi32>
        %scatter3A_196 = arith.constant 0 : i32
        %scatter3A_197 = arith.constant 0 : i32
        %scatter3A_198 = arith.constant 0 : i32
        %scatter3A_199 = tpu.memref_slice %arg8[%rem3A_83, %scatter3A_196, %scatter3A_197, %scatter3A_198] : memref<2x50x32x16xf32, #tpu.memory_space<vmem>> -> memref<1x50x32x16xf32, #tpu.memory_space<vmem>>
        %scatter3A_200 = tpu.memref_squeeze %scatter3A_199 : memref<1x50x32x16xf32, #tpu.memory_space<vmem>> -> memref<50x32x16xf32, #tpu.memory_space<vmem>>
        tpu.vector_store_idx %scatter3A_200[%add3A_134, %add3A_195, %broadcast_in_dim3A_168], %get3A_192 : memref<50x32x16xf32, #tpu.memory_space<vmem>>[vector<16xi32>, vector<16xi32>, vector<16xi32>], vector<16xf32>,
        %broadcast_in_dim3A_201 = arith.constant 2 : i32
        %broadcast_in_dim3A_202 = vector.broadcast %broadcast_in_dim3A_201 : i32 to vector<16xi32>
        %mul3A_203 = arith.constant 16 : i32
        %mul3A_204 = arith.muli %scan3A_131, %mul3A_203 : i32
        %add3A_205 = arith.constant 2 : i32
        %add3A_206 = arith.addi %mul3A_204, %add3A_205 : i32
        %get3A_207 = arith.index_cast %rem3A_83 : i32 to index
        %get3A_208 = arith.index_cast %add3A_206 : i32 to index
        %get3A_209 = arith.constant 0 : index
        %get3A_210 = tpu.vector_load %arg7[%get3A_207, %get3A_208, %get3A_209] {strides = array<i32>} : memref<2x800x32xf32, #tpu.memory_space<vmem>>, vector<16xf32>,
        %add3A_211 = arith.constant 0 : i32
        %add3A_212 = vector.broadcast %add3A_211 : i32 to vector<16xi32>
        %add3A_213 = arith.addi %add3A_212, %iota3A : vector<16xi32>
        %scatter3A_214 = arith.constant 0 : i32
        %scatter3A_215 = arith.constant 0 : i32
        %scatter3A_216 = arith.constant 0 : i32
        %scatter3A_217 = tpu.memref_slice %arg8[%rem3A_83, %scatter3A_214, %scatter3A_215, %scatter3A_216] : memref<2x50x32x16xf32, #tpu.memory_space<vmem>> -> memref<1x50x32x16xf32, #tpu.memory_space<vmem>>
        %scatter3A_218 = tpu.memref_squeeze %scatter3A_217 : memref<1x50x32x16xf32, #tpu.memory_space<vmem>> -> memref<50x32x16xf32, #tpu.memory_space<vmem>>
        tpu.vector_store_idx %scatter3A_218[%add3A_134, %add3A_213, %broadcast_in_dim3A_202], %get3A_210 : memref<50x32x16xf32, #tpu.memory_space<vmem>>[vector<16xi32>, vector<16xi32>, vector<16xi32>], vector<16xf32>,
        %mul3A_219 = arith.constant 16 : i32
        %mul3A_220 = arith.muli %scan3A_131, %mul3A_219 : i32
        %add3A_221 = arith.constant 2 : i32
        %add3A_222 = arith.addi %mul3A_220, %add3A_221 : i32
        %get3A_223 = arith.index_cast %rem3A_83 : i32 to index
        %get3A_224 = arith.index_cast %add3A_222 : i32 to index
        %get3A_225 = arith.constant 16 : index
        %get3A_226 = tpu.vector_load %arg7[%get3A_223, %get3A_224, %get3A_225] {strides = array<i32>} : memref<2x800x32xf32, #tpu.memory_space<vmem>>, vector<16xf32>,
        %add3A_227 = arith.constant 16 : i32
        %add3A_228 = vector.broadcast %add3A_227 : i32 to vector<16xi32>
        %add3A_229 = arith.addi %add3A_228, %iota3A : vector<16xi32>
        %scatter3A_230 = arith.constant 0 : i32
        %scatter3A_231 = arith.constant 0 : i32
        %scatter3A_232 = arith.constant 0 : i32
        %scatter3A_233 = tpu.memref_slice %arg8[%rem3A_83, %scatter3A_230, %scatter3A_231, %scatter3A_232] : memref<2x50x32x16xf32, #tpu.memory_space<vmem>> -> memref<1x50x32x16xf32, #tpu.memory_space<vmem>>
        %scatter3A_234 = tpu.memref_squeeze %scatter3A_233 : memref<1x50x32x16xf32, #tpu.memory_space<vmem>> -> memref<50x32x16xf32, #tpu.memory_space<vmem>>
        tpu.vector_store_idx %scatter3A_234[%add3A_134, %add3A_229, %broadcast_in_dim3A_202], %get3A_226 : memref<50x32x16xf32, #tpu.memory_space<vmem>>[vector<16xi32>, vector<16xi32>, vector<16xi32>], vector<16xf32>,
        %broadcast_in_dim3A_235 = arith.constant 3 : i32
        %broadcast_in_dim3A_236 = vector.broadcast %broadcast_in_dim3A_235 : i32 to vector<16xi32>
        %mul3A_237 = arith.constant 16 : i32
        %mul3A_238 = arith.muli %scan3A_131, %mul3A_237 : i32
        %add3A_239 = arith.constant 3 : i32
        %add3A_240 = arith.addi %mul3A_238, %add3A_239 : i32
        %get3A_241 = arith.index_cast %rem3A_83 : i32 to index
        %get3A_242 = arith.index_cast %add3A_240 : i32 to index
        %get3A_243 = arith.constant 0 : index
        %get3A_244 = tpu.vector_load %arg7[%get3A_241, %get3A_242, %get3A_243] {strides = array<i32>} : memref<2x800x32xf32, #tpu.memory_space<vmem>>, vector<16xf32>,
        %add3A_245 = arith.constant 0 : i32
        %add3A_246 = vector.broadcast %add3A_245 : i32 to vector<16xi32>
        %add3A_247 = arith.addi %add3A_246, %iota3A : vector<16xi32>
        %scatter3A_248 = arith.constant 0 : i32
        %scatter3A_249 = arith.constant 0 : i32
        %scatter3A_250 = arith.constant 0 : i32
        %scatter3A_251 = tpu.memref_slice %arg8[%rem3A_83, %scatter3A_248, %scatter3A_249, %scatter3A_250] : memref<2x50x32x16xf32, #tpu.memory_space<vmem>> -> memref<1x50x32x16xf32, #tpu.memory_space<vmem>>
        %scatter3A_252 = tpu.memref_squeeze %scatter3A_251 : memref<1x50x32x16xf32, #tpu.memory_space<vmem>> -> memref<50x32x16xf32, #tpu.memory_space<vmem>>
        tpu.vector_store_idx %scatter3A_252[%add3A_134, %add3A_247, %broadcast_in_dim3A_236], %get3A_244 : memref<50x32x16xf32, #tpu.memory_space<vmem>>[vector<16xi32>, vector<16xi32>, vector<16xi32>], vector<16xf32>,
        %mul3A_253 = arith.constant 16 : i32
        %mul3A_254 = arith.muli %scan3A_131, %mul3A_253 : i32
        %add3A_255 = arith.constant 3 : i32
        %add3A_256 = arith.addi %mul3A_254, %add3A_255 : i32
        %get3A_257 = arith.index_cast %rem3A_83 : i32 to index
        %get3A_258 = arith.index_cast %add3A_256 : i32 to index
        %get3A_259 = arith.constant 16 : index
        %get3A_260 = tpu.vector_load %arg7[%get3A_257, %get3A_258, %get3A_259] {strides = array<i32>} : memref<2x800x32xf32, #tpu.memory_space<vmem>>, vector<16xf32>,
        %add3A_261 = arith.constant 16 : i32
        %add3A_262 = vector.broadcast %add3A_261 : i32 to vector<16xi32>
        %add3A_263 = arith.addi %add3A_262, %iota3A : vector<16xi32>
        %scatter3A_264 = arith.constant 0 : i32
        %scatter3A_265 = arith.constant 0 : i32
        %scatter3A_266 = arith.constant 0 : i32
        %scatter3A_267 = tpu.memref_slice %arg8[%rem3A_83, %scatter3A_264, %scatter3A_265, %scatter3A_266] : memref<2x50x32x16xf32, #tpu.memory_space<vmem>> -> memref<1x50x32x16xf32, #tpu.memory_space<vmem>>
        %scatter3A_268 = tpu.memref_squeeze %scatter3A_267 : memref<1x50x32x16xf32, #tpu.memory_space<vmem>> -> memref<50x32x16xf32, #tpu.memory_space<vmem>>
        tpu.vector_store_idx %scatter3A_268[%add3A_134, %add3A_263, %broadcast_in_dim3A_236], %get3A_260 : memref<50x32x16xf32, #tpu.memory_space<vmem>>[vector<16xi32>, vector<16xi32>, vector<16xi32>], vector<16xf32>,
        %broadcast_in_dim3A_269 = arith.constant 4 : i32
        %broadcast_in_dim3A_270 = vector.broadcast %broadcast_in_dim3A_269 : i32 to vector<16xi32>
        %mul3A_271 = arith.constant 16 : i32
        %mul3A_272 = arith.muli %scan3A_131, %mul3A_271 : i32
        %add3A_273 = arith.constant 4 : i32
        %add3A_274 = arith.addi %mul3A_272, %add3A_273 : i32
        %get3A_275 = arith.index_cast %rem3A_83 : i32 to index
        %get3A_276 = arith.index_cast %add3A_274 : i32 to index
        %get3A_277 = arith.constant 0 : index
        %get3A_278 = tpu.vector_load %arg7[%get3A_275, %get3A_276, %get3A_277] {strides = array<i32>} : memref<2x800x32xf32, #tpu.memory_space<vmem>>, vector<16xf32>,
        %add3A_279 = arith.constant 0 : i32
        %add3A_280 = vector.broadcast %add3A_279 : i32 to vector<16xi32>
        %add3A_281 = arith.addi %add3A_280, %iota3A : vector<16xi32>
        %scatter3A_282 = arith.constant 0 : i32
        %scatter3A_283 = arith.constant 0 : i32
        %scatter3A_284 = arith.constant 0 : i32
        %scatter3A_285 = tpu.memref_slice %arg8[%rem3A_83, %scatter3A_282, %scatter3A_283, %scatter3A_284] : memref<2x50x32x16xf32, #tpu.memory_space<vmem>> -> memref<1x50x32x16xf32, #tpu.memory_space<vmem>>
        %scatter3A_286 = tpu.memref_squeeze %scatter3A_285 : memref<1x50x32x16xf32, #tpu.memory_space<vmem>> -> memref<50x32x16xf32, #tpu.memory_space<vmem>>
        tpu.vector_store_idx %scatter3A_286[%add3A_134, %add3A_281, %broadcast_in_dim3A_270], %get3A_278 : memref<50x32x16xf32, #tpu.memory_space<vmem>>[vector<16xi32>, vector<16xi32>, vector<16xi32>], vector<16xf32>,
        %mul3A_287 = arith.constant 16 : i32
        %mul3A_288 = arith.muli %scan3A_131, %mul3A_287 : i32
        %add3A_289 = arith.constant 4 : i32
        %add3A_290 = arith.addi %mul3A_288, %add3A_289 : i32
        %get3A_291 = arith.index_cast %rem3A_83 : i32 to index
        %get3A_292 = arith.index_cast %add3A_290 : i32 to index
        %get3A_293 = arith.constant 16 : index
        %get3A_294 = tpu.vector_load %arg7[%get3A_291, %get3A_292, %get3A_293] {strides = array<i32>} : memref<2x800x32xf32, #tpu.memory_space<vmem>>, vector<16xf32>,
        %add3A_295 = arith.constant 16 : i32
        %add3A_296 = vector.broadcast %add3A_295 : i32 to vector<16xi32>
        %add3A_297 = arith.addi %add3A_296, %iota3A : vector<16xi32>
        %scatter3A_298 = arith.constant 0 : i32
        %scatter3A_299 = arith.constant 0 : i32
        %scatter3A_300 = arith.constant 0 : i32
        %scatter3A_301 = tpu.memref_slice %arg8[%rem3A_83, %scatter3A_298, %scatter3A_299, %scatter3A_300] : memref<2x50x32x16xf32, #tpu.memory_space<vmem>> -> memref<1x50x32x16xf32, #tpu.memory_space<vmem>>
        %scatter3A_302 = tpu.memref_squeeze %scatter3A_301 : memref<1x50x32x16xf32, #tpu.memory_space<vmem>> -> memref<50x32x16xf32, #tpu.memory_space<vmem>>
        tpu.vector_store_idx %scatter3A_302[%add3A_134, %add3A_297, %broadcast_in_dim3A_270], %get3A_294 : memref<50x32x16xf32, #tpu.memory_space<vmem>>[vector<16xi32>, vector<16xi32>, vector<16xi32>], vector<16xf32>,
        %broadcast_in_dim3A_303 = arith.constant 5 : i32
        %broadcast_in_dim3A_304 = vector.broadcast %broadcast_in_dim3A_303 : i32 to vector<16xi32>
        %mul3A_305 = arith.constant 16 : i32
        %mul3A_306 = arith.muli %scan3A_131, %mul3A_305 : i32
        %add3A_307 = arith.constant 5 : i32
        %add3A_308 = arith.addi %mul3A_306, %add3A_307 : i32
        %get3A_309 = arith.index_cast %rem3A_83 : i32 to index
        %get3A_310 = arith.index_cast %add3A_308 : i32 to index
        %get3A_311 = arith.constant 0 : index
        %get3A_312 = tpu.vector_load %arg7[%get3A_309, %get3A_310, %get3A_311] {strides = array<i32>} : memref<2x800x32xf32, #tpu.memory_space<vmem>>, vector<16xf32>,
        %add3A_313 = arith.constant 0 : i32
        %add3A_314 = vector.broadcast %add3A_313 : i32 to vector<16xi32>
        %add3A_315 = arith.addi %add3A_314, %iota3A : vector<16xi32>
        %scatter3A_316 = arith.constant 0 : i32
        %scatter3A_317 = arith.constant 0 : i32
        %scatter3A_318 = arith.constant 0 : i32
        %scatter3A_319 = tpu.memref_slice %arg8[%rem3A_83, %scatter3A_316, %scatter3A_317, %scatter3A_318] : memref<2x50x32x16xf32, #tpu.memory_space<vmem>> -> memref<1x50x32x16xf32, #tpu.memory_space<vmem>>
        %scatter3A_320 = tpu.memref_squeeze %scatter3A_319 : memref<1x50x32x16xf32, #tpu.memory_space<vmem>> -> memref<50x32x16xf32, #tpu.memory_space<vmem>>
        tpu.vector_store_idx %scatter3A_320[%add3A_134, %add3A_315, %broadcast_in_dim3A_304], %get3A_312 : memref<50x32x16xf32, #tpu.memory_space<vmem>>[vector<16xi32>, vector<16xi32>, vector<16xi32>], vector<16xf32>,
        %mul3A_321 = arith.constant 16 : i32
        %mul3A_322 = arith.muli %scan3A_131, %mul3A_321 : i32
        %add3A_323 = arith.constant 5 : i32
        %add3A_324 = arith.addi %mul3A_322, %add3A_323 : i32
        %get3A_325 = arith.index_cast %rem3A_83 : i32 to index
        %get3A_326 = arith.index_cast %add3A_324 : i32 to index
        %get3A_327 = arith.constant 16 : index
        %get3A_328 = tpu.vector_load %arg7[%get3A_325, %get3A_326, %get3A_327] {strides = array<i32>} : memref<2x800x32xf32, #tpu.memory_space<vmem>>, vector<16xf32>,
        %add3A_329 = arith.constant 16 : i32
        %add3A_330 = vector.broadcast %add3A_329 : i32 to vector<16xi32>
        %add3A_331 = arith.addi %add3A_330, %iota3A : vector<16xi32>
        %scatter3A_332 = arith.constant 0 : i32
        %scatter3A_333 = arith.constant 0 : i32
        %scatter3A_334 = arith.constant 0 : i32
        %scatter3A_335 = tpu.memref_slice %arg8[%rem3A_83, %scatter3A_332, %scatter3A_333, %scatter3A_334] : memref<2x50x32x16xf32, #tpu.memory_space<vmem>> -> memref<1x50x32x16xf32, #tpu.memory_space<vmem>>
        %scatter3A_336 = tpu.memref_squeeze %scatter3A_335 : memref<1x50x32x16xf32, #tpu.memory_space<vmem>> -> memref<50x32x16xf32, #tpu.memory_space<vmem>>
        tpu.vector_store_idx %scatter3A_336[%add3A_134, %add3A_331, %broadcast_in_dim3A_304], %get3A_328 : memref<50x32x16xf32, #tpu.memory_space<vmem>>[vector<16xi32>, vector<16xi32>, vector<16xi32>], vector<16xf32>,
        %broadcast_in_dim3A_337 = arith.constant 6 : i32
        %broadcast_in_dim3A_338 = vector.broadcast %broadcast_in_dim3A_337 : i32 to vector<16xi32>
        %mul3A_339 = arith.constant 16 : i32
        %mul3A_340 = arith.muli %scan3A_131, %mul3A_339 : i32
        %add3A_341 = arith.constant 6 : i32
        %add3A_342 = arith.addi %mul3A_340, %add3A_341 : i32
        %get3A_343 = arith.index_cast %rem3A_83 : i32 to index
        %get3A_344 = arith.index_cast %add3A_342 : i32 to index
        %get3A_345 = arith.constant 0 : index
        %get3A_346 = tpu.vector_load %arg7[%get3A_343, %get3A_344, %get3A_345] {strides = array<i32>} : memref<2x800x32xf32, #tpu.memory_space<vmem>>, vector<16xf32>,
        %add3A_347 = arith.constant 0 : i32
        %add3A_348 = vector.broadcast %add3A_347 : i32 to vector<16xi32>
        %add3A_349 = arith.addi %add3A_348, %iota3A : vector<16xi32>
        %scatter3A_350 = arith.constant 0 : i32
        %scatter3A_351 = arith.constant 0 : i32
        %scatter3A_352 = arith.constant 0 : i32
        %scatter3A_353 = tpu.memref_slice %arg8[%rem3A_83, %scatter3A_350, %scatter3A_351, %scatter3A_352] : memref<2x50x32x16xf32, #tpu.memory_space<vmem>> -> memref<1x50x32x16xf32, #tpu.memory_space<vmem>>
        %scatter3A_354 = tpu.memref_squeeze %scatter3A_353 : memref<1x50x32x16xf32, #tpu.memory_space<vmem>> -> memref<50x32x16xf32, #tpu.memory_space<vmem>>
        tpu.vector_store_idx %scatter3A_354[%add3A_134, %add3A_349, %broadcast_in_dim3A_338], %get3A_346 : memref<50x32x16xf32, #tpu.memory_space<vmem>>[vector<16xi32>, vector<16xi32>, vector<16xi32>], vector<16xf32>,
        %mul3A_355 = arith.constant 16 : i32
        %mul3A_356 = arith.muli %scan3A_131, %mul3A_355 : i32
        %add3A_357 = arith.constant 6 : i32
        %add3A_358 = arith.addi %mul3A_356, %add3A_357 : i32
        %get3A_359 = arith.index_cast %rem3A_83 : i32 to index
        %get3A_360 = arith.index_cast %add3A_358 : i32 to index
        %get3A_361 = arith.constant 16 : index
        %get3A_362 = tpu.vector_load %arg7[%get3A_359, %get3A_360, %get3A_361] {strides = array<i32>} : memref<2x800x32xf32, #tpu.memory_space<vmem>>, vector<16xf32>,
        %add3A_363 = arith.constant 16 : i32
        %add3A_364 = vector.broadcast %add3A_363 : i32 to vector<16xi32>
        %add3A_365 = arith.addi %add3A_364, %iota3A : vector<16xi32>
        %scatter3A_366 = arith.constant 0 : i32
        %scatter3A_367 = arith.constant 0 : i32
        %scatter3A_368 = arith.constant 0 : i32
        %scatter3A_369 = tpu.memref_slice %arg8[%rem3A_83, %scatter3A_366, %scatter3A_367, %scatter3A_368] : memref<2x50x32x16xf32, #tpu.memory_space<vmem>> -> memref<1x50x32x16xf32, #tpu.memory_space<vmem>>
        %scatter3A_370 = tpu.memref_squeeze %scatter3A_369 : memref<1x50x32x16xf32, #tpu.memory_space<vmem>> -> memref<50x32x16xf32, #tpu.memory_space<vmem>>
        tpu.vector_store_idx %scatter3A_370[%add3A_134, %add3A_365, %broadcast_in_dim3A_338], %get3A_362 : memref<50x32x16xf32, #tpu.memory_space<vmem>>[vector<16xi32>, vector<16xi32>, vector<16xi32>], vector<16xf32>,
        %broadcast_in_dim3A_371 = arith.constant 7 : i32
        %broadcast_in_dim3A_372 = vector.broadcast %broadcast_in_dim3A_371 : i32 to vector<16xi32>
        %mul3A_373 = arith.constant 16 : i32
        %mul3A_374 = arith.muli %scan3A_131, %mul3A_373 : i32
        %add3A_375 = arith.constant 7 : i32
        %add3A_376 = arith.addi %mul3A_374, %add3A_375 : i32
        %get3A_377 = arith.index_cast %rem3A_83 : i32 to index
        %get3A_378 = arith.index_cast %add3A_376 : i32 to index
        %get3A_379 = arith.constant 0 : index
        %get3A_380 = tpu.vector_load %arg7[%get3A_377, %get3A_378, %get3A_379] {strides = array<i32>} : memref<2x800x32xf32, #tpu.memory_space<vmem>>, vector<16xf32>,
        %add3A_381 = arith.constant 0 : i32
        %add3A_382 = vector.broadcast %add3A_381 : i32 to vector<16xi32>
        %add3A_383 = arith.addi %add3A_382, %iota3A : vector<16xi32>
        %scatter3A_384 = arith.constant 0 : i32
        %scatter3A_385 = arith.constant 0 : i32
        %scatter3A_386 = arith.constant 0 : i32
        %scatter3A_387 = tpu.memref_slice %arg8[%rem3A_83, %scatter3A_384, %scatter3A_385, %scatter3A_386] : memref<2x50x32x16xf32, #tpu.memory_space<vmem>> -> memref<1x50x32x16xf32, #tpu.memory_space<vmem>>
        %scatter3A_388 = tpu.memref_squeeze %scatter3A_387 : memref<1x50x32x16xf32, #tpu.memory_space<vmem>> -> memref<50x32x16xf32, #tpu.memory_space<vmem>>
        tpu.vector_store_idx %scatter3A_388[%add3A_134, %add3A_383, %broadcast_in_dim3A_372], %get3A_380 : memref<50x32x16xf32, #tpu.memory_space<vmem>>[vector<16xi32>, vector<16xi32>, vector<16xi32>], vector<16xf32>,
        %mul3A_389 = arith.constant 16 : i32
        %mul3A_390 = arith.muli %scan3A_131, %mul3A_389 : i32
        %add3A_391 = arith.constant 7 : i32
        %add3A_392 = arith.addi %mul3A_390, %add3A_391 : i32
        %get3A_393 = arith.index_cast %rem3A_83 : i32 to index
        %get3A_394 = arith.index_cast %add3A_392 : i32 to index
        %get3A_395 = arith.constant 16 : index
        %get3A_396 = tpu.vector_load %arg7[%get3A_393, %get3A_394, %get3A_395] {strides = array<i32>} : memref<2x800x32xf32, #tpu.memory_space<vmem>>, vector<16xf32>,
        %add3A_397 = arith.constant 16 : i32
        %add3A_398 = vector.broadcast %add3A_397 : i32 to vector<16xi32>
        %add3A_399 = arith.addi %add3A_398, %iota3A : vector<16xi32>
        %scatter3A_400 = arith.constant 0 : i32
        %scatter3A_401 = arith.constant 0 : i32
        %scatter3A_402 = arith.constant 0 : i32
        %scatter3A_403 = tpu.memref_slice %arg8[%rem3A_83, %scatter3A_400, %scatter3A_401, %scatter3A_402] : memref<2x50x32x16xf32, #tpu.memory_space<vmem>> -> memref<1x50x32x16xf32, #tpu.memory_space<vmem>>
        %scatter3A_404 = tpu.memref_squeeze %scatter3A_403 : memref<1x50x32x16xf32, #tpu.memory_space<vmem>> -> memref<50x32x16xf32, #tpu.memory_space<vmem>>
        tpu.vector_store_idx %scatter3A_404[%add3A_134, %add3A_399, %broadcast_in_dim3A_372], %get3A_396 : memref<50x32x16xf32, #tpu.memory_space<vmem>>[vector<16xi32>, vector<16xi32>, vector<16xi32>], vector<16xf32>,
        %broadcast_in_dim3A_405 = arith.constant 8 : i32
        %broadcast_in_dim3A_406 = vector.broadcast %broadcast_in_dim3A_405 : i32 to vector<16xi32>
        %mul3A_407 = arith.constant 16 : i32
        %mul3A_408 = arith.muli %scan3A_131, %mul3A_407 : i32
        %add3A_409 = arith.constant 8 : i32
        %add3A_410 = arith.addi %mul3A_408, %add3A_409 : i32
        %get3A_411 = arith.index_cast %rem3A_83 : i32 to index
        %get3A_412 = arith.index_cast %add3A_410 : i32 to index
        %get3A_413 = arith.constant 0 : index
        %get3A_414 = tpu.vector_load %arg7[%get3A_411, %get3A_412, %get3A_413] {strides = array<i32>} : memref<2x800x32xf32, #tpu.memory_space<vmem>>, vector<16xf32>,
        %add3A_415 = arith.constant 0 : i32
        %add3A_416 = vector.broadcast %add3A_415 : i32 to vector<16xi32>
        %add3A_417 = arith.addi %add3A_416, %iota3A : vector<16xi32>
        %scatter3A_418 = arith.constant 0 : i32
        %scatter3A_419 = arith.constant 0 : i32
        %scatter3A_420 = arith.constant 0 : i32
        %scatter3A_421 = tpu.memref_slice %arg8[%rem3A_83, %scatter3A_418, %scatter3A_419, %scatter3A_420] : memref<2x50x32x16xf32, #tpu.memory_space<vmem>> -> memref<1x50x32x16xf32, #tpu.memory_space<vmem>>
        %scatter3A_422 = tpu.memref_squeeze %scatter3A_421 : memref<1x50x32x16xf32, #tpu.memory_space<vmem>> -> memref<50x32x16xf32, #tpu.memory_space<vmem>>
        tpu.vector_store_idx %scatter3A_422[%add3A_134, %add3A_417, %broadcast_in_dim3A_406], %get3A_414 : memref<50x32x16xf32, #tpu.memory_space<vmem>>[vector<16xi32>, vector<16xi32>, vector<16xi32>], vector<16xf32>,
        %mul3A_423 = arith.constant 16 : i32
        %mul3A_424 = arith.muli %scan3A_131, %mul3A_423 : i32
        %add3A_425 = arith.constant 8 : i32
        %add3A_426 = arith.addi %mul3A_424, %add3A_425 : i32
        %get3A_427 = arith.index_cast %rem3A_83 : i32 to index
        %get3A_428 = arith.index_cast %add3A_426 : i32 to index
        %get3A_429 = arith.constant 16 : index
        %get3A_430 = tpu.vector_load %arg7[%get3A_427, %get3A_428, %get3A_429] {strides = array<i32>} : memref<2x800x32xf32, #tpu.memory_space<vmem>>, vector<16xf32>,
        %add3A_431 = arith.constant 16 : i32
        %add3A_432 = vector.broadcast %add3A_431 : i32 to vector<16xi32>
        %add3A_433 = arith.addi %add3A_432, %iota3A : vector<16xi32>
        %scatter3A_434 = arith.constant 0 : i32
        %scatter3A_435 = arith.constant 0 : i32
        %scatter3A_436 = arith.constant 0 : i32
        %scatter3A_437 = tpu.memref_slice %arg8[%rem3A_83, %scatter3A_434, %scatter3A_435, %scatter3A_436] : memref<2x50x32x16xf32, #tpu.memory_space<vmem>> -> memref<1x50x32x16xf32, #tpu.memory_space<vmem>>
        %scatter3A_438 = tpu.memref_squeeze %scatter3A_437 : memref<1x50x32x16xf32, #tpu.memory_space<vmem>> -> memref<50x32x16xf32, #tpu.memory_space<vmem>>
        tpu.vector_store_idx %scatter3A_438[%add3A_134, %add3A_433, %broadcast_in_dim3A_406], %get3A_430 : memref<50x32x16xf32, #tpu.memory_space<vmem>>[vector<16xi32>, vector<16xi32>, vector<16xi32>], vector<16xf32>,
        %broadcast_in_dim3A_439 = arith.constant 9 : i32
        %broadcast_in_dim3A_440 = vector.broadcast %broadcast_in_dim3A_439 : i32 to vector<16xi32>
        %mul3A_441 = arith.constant 16 : i32
        %mul3A_442 = arith.muli %scan3A_131, %mul3A_441 : i32
        %add3A_443 = arith.constant 9 : i32
        %add3A_444 = arith.addi %mul3A_442, %add3A_443 : i32
        %get3A_445 = arith.index_cast %rem3A_83 : i32 to index
        %get3A_446 = arith.index_cast %add3A_444 : i32 to index
        %get3A_447 = arith.constant 0 : index
        %get3A_448 = tpu.vector_load %arg7[%get3A_445, %get3A_446, %get3A_447] {strides = array<i32>} : memref<2x800x32xf32, #tpu.memory_space<vmem>>, vector<16xf32>,
        %add3A_449 = arith.constant 0 : i32
        %add3A_450 = vector.broadcast %add3A_449 : i32 to vector<16xi32>
        %add3A_451 = arith.addi %add3A_450, %iota3A : vector<16xi32>
        %scatter3A_452 = arith.constant 0 : i32
        %scatter3A_453 = arith.constant 0 : i32
        %scatter3A_454 = arith.constant 0 : i32
        %scatter3A_455 = tpu.memref_slice %arg8[%rem3A_83, %scatter3A_452, %scatter3A_453, %scatter3A_454] : memref<2x50x32x16xf32, #tpu.memory_space<vmem>> -> memref<1x50x32x16xf32, #tpu.memory_space<vmem>>
        %scatter3A_456 = tpu.memref_squeeze %scatter3A_455 : memref<1x50x32x16xf32, #tpu.memory_space<vmem>> -> memref<50x32x16xf32, #tpu.memory_space<vmem>>
        tpu.vector_store_idx %scatter3A_456[%add3A_134, %add3A_451, %broadcast_in_dim3A_440], %get3A_448 : memref<50x32x16xf32, #tpu.memory_space<vmem>>[vector<16xi32>, vector<16xi32>, vector<16xi32>], vector<16xf32>,
        %mul3A_457 = arith.constant 16 : i32
        %mul3A_458 = arith.muli %scan3A_131, %mul3A_457 : i32
        %add3A_459 = arith.constant 9 : i32
        %add3A_460 = arith.addi %mul3A_458, %add3A_459 : i32
        %get3A_461 = arith.index_cast %rem3A_83 : i32 to index
        %get3A_462 = arith.index_cast %add3A_460 : i32 to index
        %get3A_463 = arith.constant 16 : index
        %get3A_464 = tpu.vector_load %arg7[%get3A_461, %get3A_462, %get3A_463] {strides = array<i32>} : memref<2x800x32xf32, #tpu.memory_space<vmem>>, vector<16xf32>,
        %add3A_465 = arith.constant 16 : i32
        %add3A_466 = vector.broadcast %add3A_465 : i32 to vector<16xi32>
        %add3A_467 = arith.addi %add3A_466, %iota3A : vector<16xi32>
        %scatter3A_468 = arith.constant 0 : i32
        %scatter3A_469 = arith.constant 0 : i32
        %scatter3A_470 = arith.constant 0 : i32
        %scatter3A_471 = tpu.memref_slice %arg8[%rem3A_83, %scatter3A_468, %scatter3A_469, %scatter3A_470] : memref<2x50x32x16xf32, #tpu.memory_space<vmem>> -> memref<1x50x32x16xf32, #tpu.memory_space<vmem>>
        %scatter3A_472 = tpu.memref_squeeze %scatter3A_471 : memref<1x50x32x16xf32, #tpu.memory_space<vmem>> -> memref<50x32x16xf32, #tpu.memory_space<vmem>>
        tpu.vector_store_idx %scatter3A_472[%add3A_134, %add3A_467, %broadcast_in_dim3A_440], %get3A_464 : memref<50x32x16xf32, #tpu.memory_space<vmem>>[vector<16xi32>, vector<16xi32>, vector<16xi32>], vector<16xf32>,
        %broadcast_in_dim3A_473 = arith.constant 10 : i32
        %broadcast_in_dim3A_474 = vector.broadcast %broadcast_in_dim3A_473 : i32 to vector<16xi32>
        %mul3A_475 = arith.constant 16 : i32
        %mul3A_476 = arith.muli %scan3A_131, %mul3A_475 : i32
        %add3A_477 = arith.constant 10 : i32
        %add3A_478 = arith.addi %mul3A_476, %add3A_477 : i32
        %get3A_479 = arith.index_cast %rem3A_83 : i32 to index
        %get3A_480 = arith.index_cast %add3A_478 : i32 to index
        %get3A_481 = arith.constant 0 : index
        %get3A_482 = tpu.vector_load %arg7[%get3A_479, %get3A_480, %get3A_481] {strides = array<i32>} : memref<2x800x32xf32, #tpu.memory_space<vmem>>, vector<16xf32>,
        %add3A_483 = arith.constant 0 : i32
        %add3A_484 = vector.broadcast %add3A_483 : i32 to vector<16xi32>
        %add3A_485 = arith.addi %add3A_484, %iota3A : vector<16xi32>
        %scatter3A_486 = arith.constant 0 : i32
        %scatter3A_487 = arith.constant 0 : i32
        %scatter3A_488 = arith.constant 0 : i32
        %scatter3A_489 = tpu.memref_slice %arg8[%rem3A_83, %scatter3A_486, %scatter3A_487, %scatter3A_488] : memref<2x50x32x16xf32, #tpu.memory_space<vmem>> -> memref<1x50x32x16xf32, #tpu.memory_space<vmem>>
        %scatter3A_490 = tpu.memref_squeeze %scatter3A_489 : memref<1x50x32x16xf32, #tpu.memory_space<vmem>> -> memref<50x32x16xf32, #tpu.memory_space<vmem>>
        tpu.vector_store_idx %scatter3A_490[%add3A_134, %add3A_485, %broadcast_in_dim3A_474], %get3A_482 : memref<50x32x16xf32, #tpu.memory_space<vmem>>[vector<16xi32>, vector<16xi32>, vector<16xi32>], vector<16xf32>,
        %mul3A_491 = arith.constant 16 : i32
        %mul3A_492 = arith.muli %scan3A_131, %mul3A_491 : i32
        %add3A_493 = arith.constant 10 : i32
        %add3A_494 = arith.addi %mul3A_492, %add3A_493 : i32
        %get3A_495 = arith.index_cast %rem3A_83 : i32 to index
        %get3A_496 = arith.index_cast %add3A_494 : i32 to index
        %get3A_497 = arith.constant 16 : index
        %get3A_498 = tpu.vector_load %arg7[%get3A_495, %get3A_496, %get3A_497] {strides = array<i32>} : memref<2x800x32xf32, #tpu.memory_space<vmem>>, vector<16xf32>,
        %add3A_499 = arith.constant 16 : i32
        %add3A_500 = vector.broadcast %add3A_499 : i32 to vector<16xi32>
        %add3A_501 = arith.addi %add3A_500, %iota3A : vector<16xi32>
        %scatter3A_502 = arith.constant 0 : i32
        %scatter3A_503 = arith.constant 0 : i32
        %scatter3A_504 = arith.constant 0 : i32
        %scatter3A_505 = tpu.memref_slice %arg8[%rem3A_83, %scatter3A_502, %scatter3A_503, %scatter3A_504] : memref<2x50x32x16xf32, #tpu.memory_space<vmem>> -> memref<1x50x32x16xf32, #tpu.memory_space<vmem>>
        %scatter3A_506 = tpu.memref_squeeze %scatter3A_505 : memref<1x50x32x16xf32, #tpu.memory_space<vmem>> -> memref<50x32x16xf32, #tpu.memory_space<vmem>>
        tpu.vector_store_idx %scatter3A_506[%add3A_134, %add3A_501, %broadcast_in_dim3A_474], %get3A_498 : memref<50x32x16xf32, #tpu.memory_space<vmem>>[vector<16xi32>, vector<16xi32>, vector<16xi32>], vector<16xf32>,
        %broadcast_in_dim3A_507 = arith.constant 11 : i32
        %broadcast_in_dim3A_508 = vector.broadcast %broadcast_in_dim3A_507 : i32 to vector<16xi32>
        %mul3A_509 = arith.constant 16 : i32
        %mul3A_510 = arith.muli %scan3A_131, %mul3A_509 : i32
        %add3A_511 = arith.constant 11 : i32
        %add3A_512 = arith.addi %mul3A_510, %add3A_511 : i32
        %get3A_513 = arith.index_cast %rem3A_83 : i32 to index
        %get3A_514 = arith.index_cast %add3A_512 : i32 to index
        %get3A_515 = arith.constant 0 : index
        %get3A_516 = tpu.vector_load %arg7[%get3A_513, %get3A_514, %get3A_515] {strides = array<i32>} : memref<2x800x32xf32, #tpu.memory_space<vmem>>, vector<16xf32>,
        %add3A_517 = arith.constant 0 : i32
        %add3A_518 = vector.broadcast %add3A_517 : i32 to vector<16xi32>
        %add3A_519 = arith.addi %add3A_518, %iota3A : vector<16xi32>
        %scatter3A_520 = arith.constant 0 : i32
        %scatter3A_521 = arith.constant 0 : i32
        %scatter3A_522 = arith.constant 0 : i32
        %scatter3A_523 = tpu.memref_slice %arg8[%rem3A_83, %scatter3A_520, %scatter3A_521, %scatter3A_522] : memref<2x50x32x16xf32, #tpu.memory_space<vmem>> -> memref<1x50x32x16xf32, #tpu.memory_space<vmem>>
        %scatter3A_524 = tpu.memref_squeeze %scatter3A_523 : memref<1x50x32x16xf32, #tpu.memory_space<vmem>> -> memref<50x32x16xf32, #tpu.memory_space<vmem>>
        tpu.vector_store_idx %scatter3A_524[%add3A_134, %add3A_519, %broadcast_in_dim3A_508], %get3A_516 : memref<50x32x16xf32, #tpu.memory_space<vmem>>[vector<16xi32>, vector<16xi32>, vector<16xi32>], vector<16xf32>,
        %mul3A_525 = arith.constant 16 : i32
        %mul3A_526 = arith.muli %scan3A_131, %mul3A_525 : i32
        %add3A_527 = arith.constant 11 : i32
        %add3A_528 = arith.addi %mul3A_526, %add3A_527 : i32
        %get3A_529 = arith.index_cast %rem3A_83 : i32 to index
        %get3A_530 = arith.index_cast %add3A_528 : i32 to index
        %get3A_531 = arith.constant 16 : index
        %get3A_532 = tpu.vector_load %arg7[%get3A_529, %get3A_530, %get3A_531] {strides = array<i32>} : memref<2x800x32xf32, #tpu.memory_space<vmem>>, vector<16xf32>,
        %add3A_533 = arith.constant 16 : i32
        %add3A_534 = vector.broadcast %add3A_533 : i32 to vector<16xi32>
        %add3A_535 = arith.addi %add3A_534, %iota3A : vector<16xi32>
        %scatter3A_536 = arith.constant 0 : i32
        %scatter3A_537 = arith.constant 0 : i32
        %scatter3A_538 = arith.constant 0 : i32
        %scatter3A_539 = tpu.memref_slice %arg8[%rem3A_83, %scatter3A_536, %scatter3A_537, %scatter3A_538] : memref<2x50x32x16xf32, #tpu.memory_space<vmem>> -> memref<1x50x32x16xf32, #tpu.memory_space<vmem>>
        %scatter3A_540 = tpu.memref_squeeze %scatter3A_539 : memref<1x50x32x16xf32, #tpu.memory_space<vmem>> -> memref<50x32x16xf32, #tpu.memory_space<vmem>>
        tpu.vector_store_idx %scatter3A_540[%add3A_134, %add3A_535, %broadcast_in_dim3A_508], %get3A_532 : memref<50x32x16xf32, #tpu.memory_space<vmem>>[vector<16xi32>, vector<16xi32>, vector<16xi32>], vector<16xf32>,
        %broadcast_in_dim3A_541 = arith.constant 12 : i32
        %broadcast_in_dim3A_542 = vector.broadcast %broadcast_in_dim3A_541 : i32 to vector<16xi32>
        %mul3A_543 = arith.constant 16 : i32
        %mul3A_544 = arith.muli %scan3A_131, %mul3A_543 : i32
        %add3A_545 = arith.constant 12 : i32
        %add3A_546 = arith.addi %mul3A_544, %add3A_545 : i32
        %get3A_547 = arith.index_cast %rem3A_83 : i32 to index
        %get3A_548 = arith.index_cast %add3A_546 : i32 to index
        %get3A_549 = arith.constant 0 : index
        %get3A_550 = tpu.vector_load %arg7[%get3A_547, %get3A_548, %get3A_549] {strides = array<i32>} : memref<2x800x32xf32, #tpu.memory_space<vmem>>, vector<16xf32>,
        %add3A_551 = arith.constant 0 : i32
        %add3A_552 = vector.broadcast %add3A_551 : i32 to vector<16xi32>
        %add3A_553 = arith.addi %add3A_552, %iota3A : vector<16xi32>
        %scatter3A_554 = arith.constant 0 : i32
        %scatter3A_555 = arith.constant 0 : i32
        %scatter3A_556 = arith.constant 0 : i32
        %scatter3A_557 = tpu.memref_slice %arg8[%rem3A_83, %scatter3A_554, %scatter3A_555, %scatter3A_556] : memref<2x50x32x16xf32, #tpu.memory_space<vmem>> -> memref<1x50x32x16xf32, #tpu.memory_space<vmem>>
        %scatter3A_558 = tpu.memref_squeeze %scatter3A_557 : memref<1x50x32x16xf32, #tpu.memory_space<vmem>> -> memref<50x32x16xf32, #tpu.memory_space<vmem>>
        tpu.vector_store_idx %scatter3A_558[%add3A_134, %add3A_553, %broadcast_in_dim3A_542], %get3A_550 : memref<50x32x16xf32, #tpu.memory_space<vmem>>[vector<16xi32>, vector<16xi32>, vector<16xi32>], vector<16xf32>,
        %mul3A_559 = arith.constant 16 : i32
        %mul3A_560 = arith.muli %scan3A_131, %mul3A_559 : i32
        %add3A_561 = arith.constant 12 : i32
        %add3A_562 = arith.addi %mul3A_560, %add3A_561 : i32
        %get3A_563 = arith.index_cast %rem3A_83 : i32 to index
        %get3A_564 = arith.index_cast %add3A_562 : i32 to index
        %get3A_565 = arith.constant 16 : index
        %get3A_566 = tpu.vector_load %arg7[%get3A_563, %get3A_564, %get3A_565] {strides = array<i32>} : memref<2x800x32xf32, #tpu.memory_space<vmem>>, vector<16xf32>,
        %add3A_567 = arith.constant 16 : i32
        %add3A_568 = vector.broadcast %add3A_567 : i32 to vector<16xi32>
        %add3A_569 = arith.addi %add3A_568, %iota3A : vector<16xi32>
        %scatter3A_570 = arith.constant 0 : i32
        %scatter3A_571 = arith.constant 0 : i32
        %scatter3A_572 = arith.constant 0 : i32
        %scatter3A_573 = tpu.memref_slice %arg8[%rem3A_83, %scatter3A_570, %scatter3A_571, %scatter3A_572] : memref<2x50x32x16xf32, #tpu.memory_space<vmem>> -> memref<1x50x32x16xf32, #tpu.memory_space<vmem>>
        %scatter3A_574 = tpu.memref_squeeze %scatter3A_573 : memref<1x50x32x16xf32, #tpu.memory_space<vmem>> -> memref<50x32x16xf32, #tpu.memory_space<vmem>>
        tpu.vector_store_idx %scatter3A_574[%add3A_134, %add3A_569, %broadcast_in_dim3A_542], %get3A_566 : memref<50x32x16xf32, #tpu.memory_space<vmem>>[vector<16xi32>, vector<16xi32>, vector<16xi32>], vector<16xf32>,
        %broadcast_in_dim3A_575 = arith.constant 13 : i32
        %broadcast_in_dim3A_576 = vector.broadcast %broadcast_in_dim3A_575 : i32 to vector<16xi32>
        %mul3A_577 = arith.constant 16 : i32
        %mul3A_578 = arith.muli %scan3A_131, %mul3A_577 : i32
        %add3A_579 = arith.constant 13 : i32
        %add3A_580 = arith.addi %mul3A_578, %add3A_579 : i32
        %get3A_581 = arith.index_cast %rem3A_83 : i32 to index
        %get3A_582 = arith.index_cast %add3A_580 : i32 to index
        %get3A_583 = arith.constant 0 : index
        %get3A_584 = tpu.vector_load %arg7[%get3A_581, %get3A_582, %get3A_583] {strides = array<i32>} : memref<2x800x32xf32, #tpu.memory_space<vmem>>, vector<16xf32>,
        %add3A_585 = arith.constant 0 : i32
        %add3A_586 = vector.broadcast %add3A_585 : i32 to vector<16xi32>
        %add3A_587 = arith.addi %add3A_586, %iota3A : vector<16xi32>
        %scatter3A_588 = arith.constant 0 : i32
        %scatter3A_589 = arith.constant 0 : i32
        %scatter3A_590 = arith.constant 0 : i32
        %scatter3A_591 = tpu.memref_slice %arg8[%rem3A_83, %scatter3A_588, %scatter3A_589, %scatter3A_590] : memref<2x50x32x16xf32, #tpu.memory_space<vmem>> -> memref<1x50x32x16xf32, #tpu.memory_space<vmem>>
        %scatter3A_592 = tpu.memref_squeeze %scatter3A_591 : memref<1x50x32x16xf32, #tpu.memory_space<vmem>> -> memref<50x32x16xf32, #tpu.memory_space<vmem>>
        tpu.vector_store_idx %scatter3A_592[%add3A_134, %add3A_587, %broadcast_in_dim3A_576], %get3A_584 : memref<50x32x16xf32, #tpu.memory_space<vmem>>[vector<16xi32>, vector<16xi32>, vector<16xi32>], vector<16xf32>,
        %mul3A_593 = arith.constant 16 : i32
        %mul3A_594 = arith.muli %scan3A_131, %mul3A_593 : i32
        %add3A_595 = arith.constant 13 : i32
        %add3A_596 = arith.addi %mul3A_594, %add3A_595 : i32
        %get3A_597 = arith.index_cast %rem3A_83 : i32 to index
        %get3A_598 = arith.index_cast %add3A_596 : i32 to index
        %get3A_599 = arith.constant 16 : index
        %get3A_600 = tpu.vector_load %arg7[%get3A_597, %get3A_598, %get3A_599] {strides = array<i32>} : memref<2x800x32xf32, #tpu.memory_space<vmem>>, vector<16xf32>,
        %add3A_601 = arith.constant 16 : i32
        %add3A_602 = vector.broadcast %add3A_601 : i32 to vector<16xi32>
        %add3A_603 = arith.addi %add3A_602, %iota3A : vector<16xi32>
        %scatter3A_604 = arith.constant 0 : i32
        %scatter3A_605 = arith.constant 0 : i32
        %scatter3A_606 = arith.constant 0 : i32
        %scatter3A_607 = tpu.memref_slice %arg8[%rem3A_83, %scatter3A_604, %scatter3A_605, %scatter3A_606] : memref<2x50x32x16xf32, #tpu.memory_space<vmem>> -> memref<1x50x32x16xf32, #tpu.memory_space<vmem>>
        %scatter3A_608 = tpu.memref_squeeze %scatter3A_607 : memref<1x50x32x16xf32, #tpu.memory_space<vmem>> -> memref<50x32x16xf32, #tpu.memory_space<vmem>>
        tpu.vector_store_idx %scatter3A_608[%add3A_134, %add3A_603, %broadcast_in_dim3A_576], %get3A_600 : memref<50x32x16xf32, #tpu.memory_space<vmem>>[vector<16xi32>, vector<16xi32>, vector<16xi32>], vector<16xf32>,
        %broadcast_in_dim3A_609 = arith.constant 14 : i32
        %broadcast_in_dim3A_610 = vector.broadcast %broadcast_in_dim3A_609 : i32 to vector<16xi32>
        %mul3A_611 = arith.constant 16 : i32
        %mul3A_612 = arith.muli %scan3A_131, %mul3A_611 : i32
        %add3A_613 = arith.constant 14 : i32
        %add3A_614 = arith.addi %mul3A_612, %add3A_613 : i32
        %get3A_615 = arith.index_cast %rem3A_83 : i32 to index
        %get3A_616 = arith.index_cast %add3A_614 : i32 to index
        %get3A_617 = arith.constant 0 : index
        %get3A_618 = tpu.vector_load %arg7[%get3A_615, %get3A_616, %get3A_617] {strides = array<i32>} : memref<2x800x32xf32, #tpu.memory_space<vmem>>, vector<16xf32>,
        %add3A_619 = arith.constant 0 : i32
        %add3A_620 = vector.broadcast %add3A_619 : i32 to vector<16xi32>
        %add3A_621 = arith.addi %add3A_620, %iota3A : vector<16xi32>
        %scatter3A_622 = arith.constant 0 : i32
        %scatter3A_623 = arith.constant 0 : i32
        %scatter3A_624 = arith.constant 0 : i32
        %scatter3A_625 = tpu.memref_slice %arg8[%rem3A_83, %scatter3A_622, %scatter3A_623, %scatter3A_624] : memref<2x50x32x16xf32, #tpu.memory_space<vmem>> -> memref<1x50x32x16xf32, #tpu.memory_space<vmem>>
        %scatter3A_626 = tpu.memref_squeeze %scatter3A_625 : memref<1x50x32x16xf32, #tpu.memory_space<vmem>> -> memref<50x32x16xf32, #tpu.memory_space<vmem>>
        tpu.vector_store_idx %scatter3A_626[%add3A_134, %add3A_621, %broadcast_in_dim3A_610], %get3A_618 : memref<50x32x16xf32, #tpu.memory_space<vmem>>[vector<16xi32>, vector<16xi32>, vector<16xi32>], vector<16xf32>,
        %mul3A_627 = arith.constant 16 : i32
        %mul3A_628 = arith.muli %scan3A_131, %mul3A_627 : i32
        %add3A_629 = arith.constant 14 : i32
        %add3A_630 = arith.addi %mul3A_628, %add3A_629 : i32
        %get3A_631 = arith.index_cast %rem3A_83 : i32 to index
        %get3A_632 = arith.index_cast %add3A_630 : i32 to index
        %get3A_633 = arith.constant 16 : index
        %get3A_634 = tpu.vector_load %arg7[%get3A_631, %get3A_632, %get3A_633] {strides = array<i32>} : memref<2x800x32xf32, #tpu.memory_space<vmem>>, vector<16xf32>,
        %add3A_635 = arith.constant 16 : i32
        %add3A_636 = vector.broadcast %add3A_635 : i32 to vector<16xi32>
        %add3A_637 = arith.addi %add3A_636, %iota3A : vector<16xi32>
        %scatter3A_638 = arith.constant 0 : i32
        %scatter3A_639 = arith.constant 0 : i32
        %scatter3A_640 = arith.constant 0 : i32
        %scatter3A_641 = tpu.memref_slice %arg8[%rem3A_83, %scatter3A_638, %scatter3A_639, %scatter3A_640] : memref<2x50x32x16xf32, #tpu.memory_space<vmem>> -> memref<1x50x32x16xf32, #tpu.memory_space<vmem>>
        %scatter3A_642 = tpu.memref_squeeze %scatter3A_641 : memref<1x50x32x16xf32, #tpu.memory_space<vmem>> -> memref<50x32x16xf32, #tpu.memory_space<vmem>>
        tpu.vector_store_idx %scatter3A_642[%add3A_134, %add3A_637, %broadcast_in_dim3A_610], %get3A_634 : memref<50x32x16xf32, #tpu.memory_space<vmem>>[vector<16xi32>, vector<16xi32>, vector<16xi32>], vector<16xf32>,
        %broadcast_in_dim3A_643 = arith.constant 15 : i32
        %broadcast_in_dim3A_644 = vector.broadcast %broadcast_in_dim3A_643 : i32 to vector<16xi32>
        %mul3A_645 = arith.constant 16 : i32
        %mul3A_646 = arith.muli %scan3A_131, %mul3A_645 : i32
        %add3A_647 = arith.constant 15 : i32
        %add3A_648 = arith.addi %mul3A_646, %add3A_647 : i32
        %get3A_649 = arith.index_cast %rem3A_83 : i32 to index
        %get3A_650 = arith.index_cast %add3A_648 : i32 to index
        %get3A_651 = arith.constant 0 : index
        %get3A_652 = tpu.vector_load %arg7[%get3A_649, %get3A_650, %get3A_651] {strides = array<i32>} : memref<2x800x32xf32, #tpu.memory_space<vmem>>, vector<16xf32>,
        %add3A_653 = arith.constant 0 : i32
        %add3A_654 = vector.broadcast %add3A_653 : i32 to vector<16xi32>
        %add3A_655 = arith.addi %add3A_654, %iota3A : vector<16xi32>
        %scatter3A_656 = arith.constant 0 : i32
        %scatter3A_657 = arith.constant 0 : i32
        %scatter3A_658 = arith.constant 0 : i32
        %scatter3A_659 = tpu.memref_slice %arg8[%rem3A_83, %scatter3A_656, %scatter3A_657, %scatter3A_658] : memref<2x50x32x16xf32, #tpu.memory_space<vmem>> -> memref<1x50x32x16xf32, #tpu.memory_space<vmem>>
        %scatter3A_660 = tpu.memref_squeeze %scatter3A_659 : memref<1x50x32x16xf32, #tpu.memory_space<vmem>> -> memref<50x32x16xf32, #tpu.memory_space<vmem>>
        tpu.vector_store_idx %scatter3A_660[%add3A_134, %add3A_655, %broadcast_in_dim3A_644], %get3A_652 : memref<50x32x16xf32, #tpu.memory_space<vmem>>[vector<16xi32>, vector<16xi32>, vector<16xi32>], vector<16xf32>,
        %mul3A_661 = arith.constant 16 : i32
        %mul3A_662 = arith.muli %scan3A_131, %mul3A_661 : i32
        %add3A_663 = arith.constant 15 : i32
        %add3A_664 = arith.addi %mul3A_662, %add3A_663 : i32
        %get3A_665 = arith.index_cast %rem3A_83 : i32 to index
        %get3A_666 = arith.index_cast %add3A_664 : i32 to index
        %get3A_667 = arith.constant 16 : index
        %get3A_668 = tpu.vector_load %arg7[%get3A_665, %get3A_666, %get3A_667] {strides = array<i32>} : memref<2x800x32xf32, #tpu.memory_space<vmem>>, vector<16xf32>,
        %add3A_669 = arith.constant 16 : i32
        %add3A_670 = vector.broadcast %add3A_669 : i32 to vector<16xi32>
        %add3A_671 = arith.addi %add3A_670, %iota3A : vector<16xi32>
        %scatter3A_672 = arith.constant 0 : i32
        %scatter3A_673 = arith.constant 0 : i32
        %scatter3A_674 = arith.constant 0 : i32
        %scatter3A_675 = tpu.memref_slice %arg8[%rem3A_83, %scatter3A_672, %scatter3A_673, %scatter3A_674] : memref<2x50x32x16xf32, #tpu.memory_space<vmem>> -> memref<1x50x32x16xf32, #tpu.memory_space<vmem>>
        %scatter3A_676 = tpu.memref_squeeze %scatter3A_675 : memref<1x50x32x16xf32, #tpu.memory_space<vmem>> -> memref<50x32x16xf32, #tpu.memory_space<vmem>>
        tpu.vector_store_idx %scatter3A_676[%add3A_134, %add3A_671, %broadcast_in_dim3A_644], %get3A_668 : memref<50x32x16xf32, #tpu.memory_space<vmem>>[vector<16xi32>, vector<16xi32>, vector<16xi32>], vector<16xf32>,
      }
      %scan3A_103 = arith.constant 50 : i32
      %mul3A_104 = arith.constant 16 : i32
      %mul3A_105 = arith.muli %scan3A_82, %mul3A_104 : i32
      %add3A_106 = arith.addi %mul3A_2, %mul3A_105 : i32
      %dma_start3A_107 = arith.constant 0 : i32
      %dma_start3A_108 = arith.constant 0 : i32
      %dma_start3A_109 = arith.constant 0 : i32
      %dma_start3A_110 = tpu.memref_slice %arg8[%rem3A_83, %dma_start3A_107, %dma_start3A_108, %dma_start3A_109] : memref<2x50x32x16xf32, #tpu.memory_space<vmem>> -> memref<1x50x32x16xf32, #tpu.memory_space<vmem>>
      %dma_start3A_111 = tpu.memref_squeeze %dma_start3A_110 : memref<1x50x32x16xf32, #tpu.memory_space<vmem>> -> memref<50x32x16xf32, #tpu.memory_space<vmem>>
      %dma_start3A_112 = arith.constant 0 : i32
      %dma_start3A_113 = arith.constant 0 : i32
      %dma_start3A_114 = tpu.memref_slice %arg4[%dma_start3A_112, %dma_start3A_113, %add3A_106] : memref<50x32x4096xf32, #tpu.memory_space<hbm>> -> memref<50x32x16xf32, #tpu.memory_space<hbm>>
      %dma_start3A_115 = tpu.memref_slice %arg10[%rem3A_83] : memref<2x!tpu.dma_semaphore, #tpu.memory_space<semaphore_mem>> -> memref<1x!tpu.dma_semaphore, #tpu.memory_space<semaphore_mem>>
      %dma_start3A_116 = tpu.memref_squeeze %dma_start3A_115 : memref<1x!tpu.dma_semaphore, #tpu.memory_space<semaphore_mem>> -> memref<!tpu.dma_semaphore, #tpu.memory_space<semaphore_mem>>
      %dma_start3A_117 = arith.constant 0 : i32
      %dma_start3A_118 = arith.constant 0 : i32
      %dma_start3A_119 = tpu.memref_slice %arg4[%dma_start3A_117, %dma_start3A_118, %add3A_106] : memref<50x32x4096xf32, #tpu.memory_space<hbm>> -> memref<50x32x16xf32, #tpu.memory_space<hbm>>
      %dma_start3A_120 = arith.constant 0 : i32
      %dma_start3A_121 = arith.constant 0 : i32
      %dma_start3A_122 = arith.constant 0 : i32
      %dma_start3A_123 = tpu.memref_slice %arg8[%rem3A_83, %dma_start3A_120, %dma_start3A_121, %dma_start3A_122] : memref<2x50x32x16xf32, #tpu.memory_space<vmem>> -> memref<1x50x32x16xf32, #tpu.memory_space<vmem>>
      %dma_start3A_124 = tpu.memref_squeeze %dma_start3A_123 : memref<1x50x32x16xf32, #tpu.memory_space<vmem>> -> memref<50x32x16xf32, #tpu.memory_space<vmem>>
      tpu.enqueue_dma source(%dma_start3A_124 : memref<50x32x16xf32, #tpu.memory_space<vmem>>) target(%dma_start3A_119 : memref<50x32x16xf32, #tpu.memory_space<hbm>>) target_semaphore(%dma_start3A_116 : memref<!tpu.dma_semaphore, #tpu.memory_space<semaphore_mem>>)
      %add3A_125 = arith.constant 2 : i32
      %add3A_126 = arith.addi %scan3A_82, %add3A_125 : i32
      %lt3A = arith.constant 8 : i32
      %lt3A_127 = arith.cmpi slt, %add3A_126, %lt3A : i32
      %convert_element_type3A_128 = arith.extui %lt3A_127 : i1 to i32
      %cond3A_129 = arith.constant 0 : i32
      %cond3A_130 = arith.cmpi ne, %convert_element_type3A_128, %cond3A_129 : i32
      scf.if %cond3A_130 {
        %add3A_131 = arith.constant 2 : i32
        %add3A_132 = arith.addi %scan3A_82, %add3A_131 : i32
        %mul3A_133 = arith.constant 800 : i32
        %mul3A_134 = arith.muli %add3A_132, %mul3A_133 : i32
        %dma_start3A_135 = arith.constant 0 : i32
        %dma_start3A_136 = arith.constant 0 : i32
        %dma_start3A_137 = tpu.memref_slice %arg7[%rem3A_83, %dma_start3A_135, %dma_start3A_136] : memref<2x800x32xf32, #tpu.memory_space<vmem>> -> memref<1x800x32xf32, #tpu.memory_space<vmem>>
        %dma_start3A_138 = tpu.memref_squeeze %dma_start3A_137 : memref<1x800x32xf32, #tpu.memory_space<vmem>> -> memref<800x32xf32, #tpu.memory_space<vmem>>
        %dma_start3A_139 = tpu.memref_slice %arg6[%mul3A_134] : memref<6400xi32, #tpu.memory_space<vmem>> -> memref<800xi32, #tpu.memory_space<vmem>>
        %dma_start3A_140 = arith.constant 0 : i32
        %dma_start3A_141 = arith.constant 0 : i32
        %dma_start3A_142 = tpu.memref_slice %arg3[%dma_start3A_140, %dma_start3A_141] : memref<100000x32xf32, #tpu.memory_space<hbm>> -> memref<100000x32xf32, #tpu.memory_space<hbm>>
        %dma_start3A_143 = tpu.memref_slice %arg9[%rem3A_83] : memref<2x!tpu.dma_semaphore, #tpu.memory_space<semaphore_mem>> -> memref<1x!tpu.dma_semaphore, #tpu.memory_space<semaphore_mem>>
        %dma_start3A_144 = tpu.memref_squeeze %dma_start3A_143 : memref<1x!tpu.dma_semaphore, #tpu.memory_space<semaphore_mem>> -> memref<!tpu.dma_semaphore, #tpu.memory_space<semaphore_mem>>
        tpu.enqueue_indirect_dma source(%dma_start3A_142 : memref<100000x32xf32, #tpu.memory_space<hbm>>) target(%dma_start3A_138 : memref<800x32xf32, #tpu.memory_space<vmem>>) offsets(%dma_start3A_139 : memref<800xi32, #tpu.memory_space<vmem>>) semaphore(%dma_start3A_144 : memref<!tpu.dma_semaphore, #tpu.memory_space<semaphore_mem>>)
      } else {
      }
    }
    %scan3A_38 = arith.constant 8 : i32
    %add3A_39 = arith.constant 96 : i32
    %add3A_40 = arith.addi %mul3A_2, %add3A_39 : i32
    %dma_wait3A = arith.constant 0 : i32
    %dma_wait3A_41 = arith.constant 0 : i32
    %dma_wait3A_42 = arith.constant 0 : i32
    %dma_wait3A_43 = arith.constant 0 : i32
    %dma_wait3A_44 = arith.constant 0 : i32
    %dma_wait3A_45 = tpu.memref_slice %arg8[%dma_wait3A, %dma_wait3A_42, %dma_wait3A_43, %dma_wait3A_44] : memref<2x50x32x16xf32, #tpu.memory_space<vmem>> -> memref<1x50x32x16xf32, #tpu.memory_space<vmem>>
    %dma_wait3A_46 = tpu.memref_squeeze %dma_wait3A_45 : memref<1x50x32x16xf32, #tpu.memory_space<vmem>> -> memref<50x32x16xf32, #tpu.memory_space<vmem>>
    %dma_wait3A_47 = arith.constant 0 : i32
    %dma_wait3A_48 = arith.constant 0 : i32
    %dma_wait3A_49 = tpu.memref_slice %arg4[%dma_wait3A_47, %dma_wait3A_48, %add3A_40] : memref<50x32x4096xf32, #tpu.memory_space<hbm>> -> memref<50x32x16xf32, #tpu.memory_space<hbm>>
    %dma_wait3A_50 = tpu.memref_slice %arg10[%dma_wait3A_41] : memref<2x!tpu.dma_semaphore, #tpu.memory_space<semaphore_mem>> -> memref<1x!tpu.dma_semaphore, #tpu.memory_space<semaphore_mem>>
    %dma_wait3A_51 = tpu.memref_squeeze %dma_wait3A_50 : memref<1x!tpu.dma_semaphore, #tpu.memory_space<semaphore_mem>> -> memref<!tpu.dma_semaphore, #tpu.memory_space<semaphore_mem>>
    %dma_wait3A_52 = arith.constant 0 : i32
    %dma_wait3A_53 = arith.constant 0 : i32
    %dma_wait3A_54 = tpu.memref_slice %arg4[%dma_wait3A_52, %dma_wait3A_53, %add3A_40] : memref<50x32x4096xf32, #tpu.memory_space<hbm>> -> memref<50x32x16xf32, #tpu.memory_space<hbm>>
    %dma_wait3A_55 = arith.constant 0 : i32
    %dma_wait3A_56 = arith.constant 0 : i32
    %dma_wait3A_57 = arith.constant 0 : i32
    %dma_wait3A_58 = tpu.memref_slice %arg8[%dma_wait3A, %dma_wait3A_55, %dma_wait3A_56, %dma_wait3A_57] : memref<2x50x32x16xf32, #tpu.memory_space<vmem>> -> memref<1x50x32x16xf32, #tpu.memory_space<vmem>>
    %dma_wait3A_59 = tpu.memref_squeeze %dma_wait3A_58 : memref<1x50x32x16xf32, #tpu.memory_space<vmem>> -> memref<50x32x16xf32, #tpu.memory_space<vmem>>
    tpu.wait_dma2 semaphore(%dma_wait3A_51 : memref<!tpu.dma_semaphore, #tpu.memory_space<semaphore_mem>>) src(%dma_wait3A_59 : memref<50x32x16xf32, #tpu.memory_space<vmem>>) dst(%dma_wait3A_54 : memref<50x32x16xf32, #tpu.memory_space<hbm>>)
    %add3A_60 = arith.constant 112 : i32
    %add3A_61 = arith.addi %mul3A_2, %add3A_60 : i32
    %dma_wait3A_62 = arith.constant 1 : i32
    %dma_wait3A_63 = arith.constant 1 : i32
    %dma_wait3A_64 = arith.constant 0 : i32
    %dma_wait3A_65 = arith.constant 0 : i32
    %dma_wait3A_66 = arith.constant 0 : i32
    %dma_wait3A_67 = tpu.memref_slice %arg8[%dma_wait3A_62, %dma_wait3A_64, %dma_wait3A_65, %dma_wait3A_66] : memref<2x50x32x16xf32, #tpu.memory_space<vmem>> -> memref<1x50x32x16xf32, #tpu.memory_space<vmem>>
    %dma_wait3A_68 = tpu.memref_squeeze %dma_wait3A_67 : memref<1x50x32x16xf32, #tpu.memory_space<vmem>> -> memref<50x32x16xf32, #tpu.memory_space<vmem>>
    %dma_wait3A_69 = arith.constant 0 : i32
    %dma_wait3A_70 = arith.constant 0 : i32
    %dma_wait3A_71 = tpu.memref_slice %arg4[%dma_wait3A_69, %dma_wait3A_70, %add3A_61] : memref<50x32x4096xf32, #tpu.memory_space<hbm>> -> memref<50x32x16xf32, #tpu.memory_space<hbm>>
    %dma_wait3A_72 = tpu.memref_slice %arg10[%dma_wait3A_63] : memref<2x!tpu.dma_semaphore, #tpu.memory_space<semaphore_mem>> -> memref<1x!tpu.dma_semaphore, #tpu.memory_space<semaphore_mem>>
    %dma_wait3A_73 = tpu.memref_squeeze %dma_wait3A_72 : memref<1x!tpu.dma_semaphore, #tpu.memory_space<semaphore_mem>> -> memref<!tpu.dma_semaphore, #tpu.memory_space<semaphore_mem>>
    %dma_wait3A_74 = arith.constant 0 : i32
    %dma_wait3A_75 = arith.constant 0 : i32
    %dma_wait3A_76 = tpu.memref_slice %arg4[%dma_wait3A_74, %dma_wait3A_75, %add3A_61] : memref<50x32x4096xf32, #tpu.memory_space<hbm>> -> memref<50x32x16xf32, #tpu.memory_space<hbm>>
    %dma_wait3A_77 = arith.constant 0 : i32
    %dma_wait3A_78 = arith.constant 0 : i32
    %dma_wait3A_79 = arith.constant 0 : i32
    %dma_wait3A_80 = tpu.memref_slice %arg8[%dma_wait3A_62, %dma_wait3A_77, %dma_wait3A_78, %dma_wait3A_79] : memref<2x50x32x16xf32, #tpu.memory_space<vmem>> -> memref<1x50x32x16xf32, #tpu.memory_space<vmem>>
    %dma_wait3A_81 = tpu.memref_squeeze %dma_wait3A_80 : memref<1x50x32x16xf32, #tpu.memory_space<vmem>> -> memref<50x32x16xf32, #tpu.memory_space<vmem>>
    tpu.wait_dma2 semaphore(%dma_wait3A_73 : memref<!tpu.dma_semaphore, #tpu.memory_space<semaphore_mem>>) src(%dma_wait3A_81 : memref<50x32x16xf32, #tpu.memory_space<vmem>>) dst(%dma_wait3A_76 : memref<50x32x16xf32, #tpu.memory_space<hbm>>)
    return
  }
}

</mosaic_0001>

<sc_bundles>
// kernel: kernel.3.cloned.1.call-start
scs
__scs_entry_jumppad:
0x0: {  	(pc) =	sbr.rel $0x88, $3  }
0x1: {  	(tag) =	ssettag $0x0;
	lr =	simm.s32 $0x1  }
0x2: {  	[smem:$0x3F9F] =	sst lr;
	_ =	strace $0xD0000000  }
0x3: {  	_ = 	snop  }
0x4: {  	_ = 	snop  }
0x5: {  	_ = 	snop  }
0x6: {  	_ = 	snop  }
0x7: {  	_ = 	snop  }
__scs_overlays_trampoline_lowered:
0x8: {  	[smem:$0x3FAE] =	sst s0  }
0x9: {  	[smem:$0x3FAF] =	sst s1  }
0xa: {  	[smem:$0x3FB0] =	sst s2  }
0xb: {  	[smem:$0x3FB1] =	sst s3  }
0xc: {  	[smem:$0x3FB2] =	sst s4  }
0xd: {  	[smem:$0x3FB3] =	sst s5  }
0xe: {  	[smem:$0x3FB4] =	sst s6  }
0xf: {  	[smem:$0x3FB5] =	sst s7  }
0x10: {  	[smem:$0x3FB6] =	sst s8  }
0x11: {  	[smem:$0x3FB7] =	sst s9;
	s0 =	simm.s32 @!p0 $0x0  }
0x12: {  	s1 =	sld [smem:$0x3F9D];
	s0 =	simm.s32 @p0 $0x1  }
0x13: {  	[smem:$0x3FB8] =	sst s0;
	s0 =	simm.s32 @!p1 $0x0  }
0x14: {  	s2 =	sld [smem:$0x3F9C];
	s0 =	simm.s32 @p1 $0x1  }
0x15: {  	[smem:$0x3FB9] =	sst s0;
	s0 =	simm.s32 @!p2 $0x0  }
0x16: {  	s3 =	sld [smem:$0x3FDB];
	s0 =	simm.s32 @p2 $0x1  }
0x17: {  	s4 =	simm.s32 $0x1BF5;
	[smem:$0x3FBB] =	sst s0  }
0x18: {  	s0 =	sld [smem:$0x3F9E];
	_ =	swait.ge [sflag:s4], $0x0  }
0x19: {  	s7 =	sld [smem:$0x3F9F]  }
0x1a: {  	s8 =	sadd.s32 $0xFFFFE003, lr  }
0x1b: {  	s9 =	sadd.s32 $0xFFFFFEF7, lr;
	s5 =	simm.s32 $0xFFFFFFFF;
	p2 =	slt.u32 s8, $0xFFFFF086  }
0x1c: {  	p1 =	slt.u32 s9, $0xF7A;
	s5 =	simm.s32 @!p2 $0x0  }
0x1d: {  	s5 =	simm.s32 @p1 $0x1;
	p0 =	seq.s32 s7, s2  }
0x1e: {  	s7 =	smul.u32 @!p0 $0xF7A, s2;
	p2 =	seq.s32 @!p0 s5, $0x0  }
0x1f: {  	s9 =	smul.u32 $0xF7A, s1;
	s8 =	simm.s32 @!p0 $0x1BF5;
	p2 =	por !p2, p0  }
0x20: {  	[sflag:s8] =	ssyncset.s32 @!p0 $0xFFFFF086;
	s6 =	sadd.s32 @!p0 s3, s7;
	s7 =	simm.s32 @!p0 $0x108  }
0x21: {  	s3 =	sadd.s32 s3, s9;
	s6 =	sadd.s32 @!p0 $0x88, s6;
	s7 =	simm.s32 @p2 $0x1082  }
0x22: {  	[simem:s7], [sflag:s8] =	dma.local @!p0 [hbm:s6], $0xF7A  }
0x23: {  	s9 =	sor.u32 $0xD0000000, s2;
	s6 =	simm.s32 $0x108;
	_ =	swait.ge @!p0 [sflag:s8], $0x0  }
0x24: {  	s3 =	sadd.s32 $0x88, s3;
	s6 =	simm.s32 @!p1 $0x1082;
	[sflag:s4] =	ssyncset.s32 $0xFFFFF086  }
0x25: {  	[simem:s6], [sflag:s4] =	dma.local [hbm:s3], $0xF7A  }
0x26: {  	[smem:$0x3F9F] =	sst s1;
	(tag) =	ssettag s2;
	_ =	strace s9  }
0x27: {  	s1 =	sld [smem:$0x3FAF]  }
0x28: {  	s2 =	sld [smem:$0x3FB0]  }
0x29: {  	s4 =	sld [smem:$0x3FB2]  }
0x2a: {  	p0 =	seq.s32 s5, $0x0;
	s5 =	sld [smem:$0x3FB3]  }
0x2b: {  	s6 =	sld [smem:$0x3FB4]  }
0x2c: {  	s7 =	sld [smem:$0x3FB5]  }
0x2d: {  	s3 =	simm.s32 $0x108;
	s8 =	sld [smem:$0x3FB6]  }
0x2e: {  	s3 =	simm.s32 @!p0 $0x1082;
	s9 =	sld [smem:$0x3FB7]  }
0x2f: {  	lr =	sadd.s32 s0, s3;
	s0 =	sld [smem:$0x3FAE]  }
0x30: {  	s3 =	sld [smem:$0x3FB1]  }
0x31: {  	[smem:$0x3FBA] =	sst s10  }
0x32: {  	s10 =	sld [smem:$0x3FB8];
	_ =	sdelay $0x3  }
0x33: {  	p0 =	seq.s32 s10, $0x1;
	s10 =	sld [smem:$0x3FBA];
	_ =	sdelay $0x3  }
0x34: {  	[smem:$0x3FBA] =	sst s10  }
0x35: {  	s10 =	sld [smem:$0x3FB9];
	_ =	sdelay $0x3  }
0x36: {  	p1 =	seq.s32 s10, $0x1;
	s10 =	sld [smem:$0x3FBA];
	_ =	sdelay $0x3  }
0x37: {  	[smem:$0x3FBA] =	sst s10  }
0x38: {  	s10 =	sld [smem:$0x3FBB]  }
0x39: {  	_ = 	snop;
	(pc) =	sbr.ind lr, $3  }
0x3a: {  	_ = 	snop  }
0x3b: {  	_ = 	snop  }
0x3c: {  	p2 =	seq.s32 s10, $0x1;
	s10 =	sld [smem:$0x3FBA]  }
0x3d: {  	_ =	shalt  }
0x3e: {  	_ =	shalt  }
0x3f: {  	_ =	shalt  }
0x40: {  	_ =	shalt  }
0x41: {  	_ =	shalt  }
0x42: {  	_ =	shalt  }
0x43: {  	_ =	shalt  }
0x44: {  	_ =	shalt  }
0x45: {  	_ =	shalt  }
0x46: {  	_ =	shalt  }
0x47: {  	_ =	shalt  }
0x48: {  	_ =	shalt  }
0x49: {  	_ =	shalt  }
0x4a: {  	_ =	shalt  }
0x4b: {  	_ =	shalt  }
0x4c: {  	_ =	shalt  }
0x4d: {  	_ =	shalt  }
0x4e: {  	_ =	shalt  }
0x4f: {  	_ =	shalt  }
0x50: {  	_ =	shalt  }
0x51: {  	_ =	shalt  }
0x52: {  	_ =	shalt  }
0x53: {  	_ =	shalt  }
0x54: {  	_ =	shalt  }
0x55: {  	_ =	shalt  }
0x56: {  	_ =	shalt  }
0x57: {  	_ =	shalt  }
0x58: {  	_ =	shalt  }
0x59: {  	_ =	shalt  }
0x5a: {  	_ =	shalt  }
0x5b: {  	_ =	shalt  }
0x5c: {  	_ =	shalt  }
0x5d: {  	_ =	shalt  }
0x5e: {  	_ =	shalt  }
0x5f: {  	_ =	shalt  }
0x60: {  	_ =	shalt  }
0x61: {  	_ =	shalt  }
0x62: {  	_ =	shalt  }
0x63: {  	_ =	shalt  }
0x64: {  	_ =	shalt  }
0x65: {  	_ =	shalt  }
0x66: {  	_ =	shalt  }
0x67: {  	_ =	shalt  }
0x68: {  	_ =	shalt  }
0x69: {  	_ =	shalt  }
0x6a: {  	_ =	shalt  }
0x6b: {  	_ =	shalt  }
0x6c: {  	_ =	shalt  }
0x6d: {  	_ =	shalt  }
0x6e: {  	_ =	shalt  }
0x6f: {  	_ =	shalt  }
0x70: {  	_ =	shalt  }
0x71: {  	_ =	shalt  }
0x72: {  	_ =	shalt  }
0x73: {  	_ =	shalt  }
0x74: {  	_ =	shalt  }
0x75: {  	_ =	shalt  }
0x76: {  	_ =	shalt  }
0x77: {  	_ =	shalt  }
0x78: {  	_ =	shalt  }
0x79: {  	_ =	shalt  }
0x7a: {  	_ =	shalt  }
0x7b: {  	_ =	shalt  }
0x7c: {  	_ =	shalt  }
0x7d: {  	_ =	shalt  }
0x7e: {  	_ =	shalt  }
0x7f: {  	_ =	shalt  }
0x80: {  	_ =	shalt  }
0x81: {  	_ =	shalt  }
0x82: {  	_ =	shalt  }
0x83: {  	_ =	shalt  }
0x84: {  	_ =	shalt  }
0x85: {  	_ =	shalt  }
0x86: {  	_ =	shalt  }
0x87: {  	_ =	shalt  }
.Lfunc_end0:
.L_simem_size_0:
called_computation_lowered:
.L_overlay_start_0:
0x88: {  	s2 =	sld [smem:$0x3FD9]  }
0x89: {  	s3 =	sld [smem:$0x3FFE];
	_ =	sdelay $0x1  }
0x8a: {  	s1 =	srdreg.scid  }
0x8b: {  	s0 =	sand.u32 $0x1, s1  }
0x8c: {  	s17 =	sshll.u32 s0, $0xA;
	s2 =	sadd.s32 s3, s2  }
0x8d: {  	s2 =	sadd.s32 s2, s17  }
0x8e: {  	[smem:$0x3FC6] =	sst s2  }
0x8f: {  	_ = 	snop  }
0x90: {  	s2 =	sld [smem:$0x3FD0];
	(tm) =	ssettm $0x1  }
0x91: {  	s18 =	sld [smem:$0x3FFB];
	_ =	sdelay $0x3  }
0x92: {  	_ =	strace s18  }
0x93: {  	s3 =	sld [smem:$0x3FFC];
	_ =	sdelay $0x3  }
0x94: {  	_ =	strace s3  }
0x95: {  	s3 =	sld [smem:$0x3FFD];
	_ =	sdelay $0x3  }
0x96: {  	_ =	strace s3  }
0x97: {  	_ =	strace $0x8FFFFFFF  }
0x98: {  	s19 =	sld [smem:$0x3FDB];
	_ =	sdelay $0x1  }
0x99: {  	s4 =	simm.s32 $_scs_section_size  }
0x9a: {  	s5 =	simm.s32 $_size__tile_overlayer_lowered;
	s6 =	simm.s32 $_tile_overlayer_lowered  }
0x9b: {  	s22 =	simm.s32 $0x1BFF;
	s21 =	sshll.u32 s6, $0x1;
	s3 =	sadd.s32 s4, s19  }
0x9c: {  	s7 =	simm.s32 $0x0;
	s20 =	sshll.u32 s5, $0x1;
	s5 =	sadd.s32 s21, s3  }
0x9d: {  	[timem:s7], [sflag:s22] =	dma.local [hbm:s5], s20  }
0x9e: {  	_ =	swait.ge [sflag:s22], s20  }
0x9f: {  	s4 =	ssub.s32 $0x0, s20;
	[sflag:s22] =	ssyncset.done $0x0  }
0xa0: {  	[sflag:s22] =	ssyncadd.s32 s4;
	_ =	sdelay $0x1  }
0xa1: {  	s23 =	simm.s32 $0x1B8B  }
0xa2: {  	_ =	swait.ge [sflag:s23], $0x1  }
0xa3: {  	[sflag:s23] =	ssyncset.done $0x0  }
0xa4: {  	s25 =	simm.s32 $0x1B8E;
	s24 =	sld [smem:$0x3FFE];
	[sflag:s23] =	ssyncadd.s32 $0xFFFFFFFF  }
0xa5: {  	s26 =	simm.s32 $execute0_lowered;
	[smem:$0x3FD2] =	sst s25  }
0xa6: {  	s5 =	sshll.u32 s26, $0x1;
	_ =	strace $0x80000046;
	[dreg:$0x1] =	wrdreg $0xFFFFFFFF  }
0xa7: {  	s28 =	simm.s32 $_size_execute0_lowered;
	s3 =	sadd.s32 s3, s5;
	[dreg:$0x0] =	wrdreg $0x0  }
0xa8: {  	s5 =	sshll.u32 s28, $0x1;
	[dreg:$0x2] =	wrdreg s3  }
0xa9: {  	[dreg:$0x3] =	wrdreg s5  }
0xaa: {  	[dreg:$0x4] =	wrdreg $0xC0  }
0xab: {  	_ =	task [dreg:s7], $0x5FFFF  }
0xac: {  	[dreg:$0x1] =	wrdreg $0xFFFFFFFF  }
0xad: {  	[dreg:$0x0] =	wrdreg $0x60  }
0xae: {  	[dreg:$0x2] =	wrdreg s24  }
0xaf: {  	[dreg:$0x3] =	wrdreg s2  }
0xb0: {  	[dreg:$0x4] =	wrdreg $0x9  }
0xb1: {  	_ =	task.clear_ibuf [dreg:s7], $0x5FFFF;
	_ =	strace $0x90000046  }
0xb2: {  	s29 =	simm.s32 $0x9;
	_ =	strace $0x80000048  }
0xb3: {  	_ =	swait.ge [sflag:s29], $0x1  }
0xb4: {  	[sflag:s29] =	ssyncadd.s32 $0xFFFFFFFF  }
0xb5: {  	_ =	strace $0x90000048  }
0xb6: {  	_ =	sfence  }
0xb7: {  	s30 =	sld [smem:$0x0];
	_ =	sdelay $0x2  }
0xb8: {  	s31 =	sshll.u32 s1, $0xD;
	s1 =	sshrl.u32 s1, $0x2  }
0xb9: {  	s3 =	sand.u32 $0x4000, s31;
	s1 =	sadd.s32 s1, s30  }
0xba: {  	s0 =	sor.u32 s3, s0;
	s1 =	sshll.u32 s1, $0x11  }
0xbb: {  	s0 =	sor.u32 s1, s0  }
0xbc: {  	s0 =	sadd.s32 $0x8F2B, s0  }
0xbd: {  	[sflag:s0] =	ssyncadd.remote.s32 $0x1  }
0xbe: {  	_ =	sfence.sel $0xFFFF  }
0xbf: {  	[dreg:$0x0] =	wrdreg $0xFFFFFFFF;
	(pc) =	sbr.abs _section_cstart, $3  }
0xc0: {  	[dreg:$0x1] =	wrdreg $0xFFFFFFFF  }
0xc1: {  	_ =	task.clear_ibuf [dreg:s7], $0x2FFFF;
	_ =	strace $0x9FFFFFFF  }
0xc2: {  	(tm) =	ssettm $0x7FFFFFFF  }
0xc3: {  	_ =	shalt  }
tec
execute0_lowered:
.L_overlay_start_1:
0x0: {  	(tag) =	ssettag $0x1  }
0x1: {  	v0 =	vlaneseq.u32  }
0x2: {  	v0 =	vmul.u32 $0x10, v0;
	_ =	sdelay $0x1  }
0x3: {  	s5 =	rddreg [dreg:$0x0];
	s1 =	srdreg.scid;
	v1 =	vor.u32 $0x100, v0  }
0x4: {  	s2 =	rddreg [dreg:$0x1];
	s0 =	stileid.u32;
	s3 =	simm.s32 $0x0;
	v2 =	vor.u32 $0x1, v0;
	v3 =	vor.u32 $0x101, v0;
	v4 =	vor.u32 $0x2, v0  }
0x5: {  	s9 =	simm.s32 $0x1000;
	s10 =	simm.s32 $0x5;
	s11 =	simm.s32 $0x320;
	v5 =	vor.u32 $0x102, v0;
	v6 =	vor.u32 $0x3, v0;
	v7 =	vor.u32 $0x103, v0  }
0x6: {  	s12 =	simm.s32 $0x1900;
	s13 =	simm.s32 $0x3200;
	s14 =	simm.s32 $0x1C20;
	v8 =	vor.u32 $0x4, v0;
	v9 =	vor.u32 $0x104, v0;
	v10 =	vor.u32 $0x5, v0  }
0x7: {  	s15 =	simm.s32 $0x9600;
	s16 =	simm.s32 $0x10;
	s17 =	simm.s32 $0x3;
	v11 =	vor.u32 $0x105, v0;
	v12 =	vor.u32 $0x6, v0;
	v13 =	vor.u32 $0x106, v0  }
0x8: {  	s18 =	simm.s32 $0x4;
	s19 =	simm.s32 $0x0;
	s6 =	sand.u32 $0x1, s1;
	v14 =	vor.u32 $0x7, v0;
	v15 =	vor.u32 $0x107, v0;
	v16 =	vor.u32 $0x8, v0  }
0x9: {  	s1 =	rddreg [dreg:$0x2];
	s4 =	sshll.u32 s0, $0x8;
	s7 =	sshll.u32 s6, $0x7;
	v17 =	vor.u32 $0x108, v0;
	v18 =	vor.u32 $0x9, v0;
	v19 =	vor.u32 $0x109, v0  }
0xa: {  	[smem:$0x7FF] =	sst s3;
	s6 =	ssub.s32 $0x2, s6;
	s4 =	sor.u32 s7, s4;
	v20 =	vor.u32 $0xA, v0;
	v21 =	vor.u32 $0x10A, v0;
	v22 =	vor.u32 $0xB, v0  }
0xb: {  	_ =	strace $0x80000047;
	s8 =	sshrl.u32 s6, $0x1;
	v23 =	vor.u32 $0x10B, v0;
	v24 =	vor.u32 $0xC, v0;
	v25 =	vor.u32 $0x10C, v0;
	s7 =	sshrl.u32 s4, $0x3  }
0xc: {  	v26 =	vor.u32 $0xD, v0;
	v27 =	vor.u32 $0x10D, v0;
	v28 =	vor.u32 $0xE, v0;
	s8 =	ssub.s32 s6, s8;
	s7 =	sadd.s32 s7, s5;
	s5 =	sadd.s32 $0x6A00, s5  }
0xd: {  	v29 =	vor.u32 $0x10E, v0;
	v30 =	vor.u32 $0xF, v0;
	v31 =	vor.u32 $0x10F, v0;
	s6 =	sadd.s32 $0x600, s7;
	s7 =	smax.u32 s8, $0x1;
	s8 =	simm.s32 $0x80  }
.LBB2_1:
0xe: {  	s20 =	smulhi.u32 $0x51EB851F, s3  }
0xf: {  	[tilespmem:s3], [sflag:$0x5] =	stream.strided.gather [hbm4b:s6+s8], $0x1900, s9, s8, $0x38;
	[tilespmem:$0x1C200] =	vst v63  }
0x10: {  	s20 =	sshrl.u32 s20, $0x4  }
0x11: {  	s20 =	smul.u32 $0xFFFF9C40, s20  }
0x12: {  	_ =	swait.ge [sflag:s10], $0x1900  }
0x13: {  	s21 =	simm.s32 $0x1;
	[sflag:s10] =	ssyncset.done $0x0;
	s20 =	sshra.s32 s20, $0x2  }
0x14: {  	s22 =	smulhi.u32 $0x51EB851F, s21;
	[sflag:s10] =	ssyncadd.s32 $0xFFFFE700;
	s20 =	sadd.s32 $0x0, s20  }
0x15: {  	v32 =	vld [tilespmem:s20+$0x0]  }
0x16: {  	s21 =	simm.s32 $0x2;
	s22 =	sshrl.u32 s22, $0x4  }
0x17: {  	s23 =	smul.u32 $0xFFFF9C40, s22;
	s22 =	simm.s32 $0x0;
	s20 =	simm.s32 $0x1900  }
.LBB2_2:
0x18: {  	s24 =	smulhi.u32 $0x51EB851F, s21  }
0x19: {  	s23 =	sshra.s32 s23, $0x2;
	s22 =	sadd.s32 $0x80, s22;
	p0 =	sne.s32 s21, $0x18F  }
.Ltmp0:
0x1a: {  	s21 =	sadd.s32 $0x1, s21;
	s23 =	sadd.s32 s23, s22;
	[tilespmem:s20+$0x0] =	vst v32;
	(pc) =	sbr.rel @p0 .LBB2_2-.Ltmp0, $4  }
0x1b: {  	v32 =	vld [tilespmem:s23+$0x0]  }
0x1c: {  	s23 =	sshrl.u32 s24, $0x4  }
0x1d: {  	s23 =	smul.u32 $0xFFFF9C40, s23  }
0x1e: {  	s20 =	sadd.s32 $0x10, s20  }
0x1f: {  	s21 =	sshra.s32 s23, $0x2;
	s22 =	sadd.s32 $0x80, s22  }
0x20: {  	s21 =	sadd.s32 s21, s22;
	[tilespmem:s20+$0x0] =	vst v32  }
0x21: {  	v32 =	vld [tilespmem:s21+$0x0];
	_ =	sdelay $0x3  }
0x22: {  	s31 =	sadd.s32 $0x10, s20  }
0x23: {  	[tilespmem:s31+$0x0] =	vst v32  }
0x24: {  	[tilespmem:s13], [sflag:$0x1] =	stream.indirect.gather [hbm4b:s2+s11], $0x20, s12, s11, $0xb8;
	[tilespmem:$0x1C200] =	vst v63  }
0x25: {  	p0 =	por $0x0, $0x0;
	s20 =	simm.s32 $0x0  }
0x26: {  	[tilespmem:s15], [sflag:$0x2] =	stream.indirect.gather [hbm4b:s2+s11], $0x20, s14, s11, $0xb8;
	[tilespmem:$0x1C200] =	vst v63  }
.LBB2_4:
0x27: {  	s22 =	sand.u32 $0x1, s20  }
0x28: {  	s23 =	simm.s32 $0x1;
	s21 =	sadd.s32 $0x1, s22  }
0x29: {  	s23 =	simm.s32 @!p0 $0x0;
	_ =	swait.ge [sflag:s21], $0x6400  }
0x2a: {  	p1 =	slt.u32 s20, $0x2;
	s23 =	smul.u32 $0x19000, s23;
	[sflag:s21] =	ssyncset.done $0x0  }
0x2b: {  	s24 =	sadd.s32 @!p1 $0x3, s22;
	s26 =	smul.u32 $0x6400, s22;
	[sflag:s21] =	ssyncadd.s32 $0xFFFF9C00  }
0x2c: {  	s28 =	simm.s32 $0x1;
	s23 =	sshrl.u32 s23, $0x2;
	_ =	swait.ge @!p1 [sflag:s24], $0x6400  }
0x2d: {  	s25 =	sadd.s32 $0x3300, s23;
	s23 =	sadd.s32 $0x3200, s26;
	[sflag:s24] =	ssyncset.done @!p1 $0x0  }
0x2e: {  	[sflag:s24] =	ssyncadd.s32 @!p1 $0xFFFF9C00;
	s24 =	sadd.s32 $0xFA00, s26;
	s26 =	simm.s32 $0x0  }
.LBB2_5:
0x2f: {  	p1 =	sne.s32 s28, $0x31;
	v32 =	vld [tilespmem:s25+$0xFFFFFF00];
	v33 =	vor.u32 s26, v0;
	_ =	sdelay $0x4  }
0x30: {  	[tilespmem:v33+s24+$0x0] =	vst.idx.msk $0xffff, v32  }
0x31: {  	v33 =	vor.u32 s26, v1;
	v32 =	vld [tilespmem:s25+$0xFFFFFF10];
	_ =	sdelay $0x4  }
0x32: {  	[tilespmem:v33+s24+$0x0] =	vst.idx.msk $0xffff, v32  }
0x33: {  	v33 =	vor.u32 s26, v2;
	v32 =	vld [tilespmem:s25+$0xFFFFFF20];
	_ =	sdelay $0x4  }
0x34: {  	[tilespmem:v33+s24+$0x0] =	vst.idx.msk $0xffff, v32  }
0x35: {  	v33 =	vor.u32 s26, v3;
	v32 =	vld [tilespmem:s25+$0xFFFFFF30];
	_ =	sdelay $0x4  }
0x36: {  	[tilespmem:v33+s24+$0x0] =	vst.idx.msk $0xffff, v32  }
0x37: {  	v33 =	vor.u32 s26, v4;
	v32 =	vld [tilespmem:s25+$0xFFFFFF40];
	_ =	sdelay $0x4  }
0x38: {  	[tilespmem:v33+s24+$0x0] =	vst.idx.msk $0xffff, v32  }
0x39: {  	v33 =	vor.u32 s26, v5;
	v32 =	vld [tilespmem:s25+$0xFFFFFF50];
	_ =	sdelay $0x4  }
0x3a: {  	[tilespmem:v33+s24+$0x0] =	vst.idx.msk $0xffff, v32  }
0x3b: {  	v33 =	vor.u32 s26, v6;
	v32 =	vld [tilespmem:s25+$0xFFFFFF60];
	_ =	sdelay $0x4  }
0x3c: {  	[tilespmem:v33+s24+$0x0] =	vst.idx.msk $0xffff, v32  }
0x3d: {  	v33 =	vor.u32 s26, v7;
	v32 =	vld [tilespmem:s25+$0xFFFFFF70];
	_ =	sdelay $0x4  }
0x3e: {  	[tilespmem:v33+s24+$0x0] =	vst.idx.msk $0xffff, v32  }
0x3f: {  	v33 =	vor.u32 s26, v8;
	v32 =	vld [tilespmem:s25+$0xFFFFFF80];
	_ =	sdelay $0x4  }
0x40: {  	[tilespmem:v33+s24+$0x0] =	vst.idx.msk $0xffff, v32  }
0x41: {  	v33 =	vor.u32 s26, v9;
	v32 =	vld [tilespmem:s25+$0xFFFFFF90];
	_ =	sdelay $0x4  }
0x42: {  	[tilespmem:v33+s24+$0x0] =	vst.idx.msk $0xffff, v32  }
0x43: {  	v33 =	vor.u32 s26, v10;
	v32 =	vld [tilespmem:s25+$0xFFFFFFA0];
	_ =	sdelay $0x4  }
0x44: {  	[tilespmem:v33+s24+$0x0] =	vst.idx.msk $0xffff, v32  }
0x45: {  	v33 =	vor.u32 s26, v11;
	v32 =	vld [tilespmem:s25+$0xFFFFFFB0];
	_ =	sdelay $0x4  }
0x46: {  	[tilespmem:v33+s24+$0x0] =	vst.idx.msk $0xffff, v32  }
0x47: {  	v33 =	vor.u32 s26, v12;
	v32 =	vld [tilespmem:s25+$0xFFFFFFC0];
	_ =	sdelay $0x4  }
0x48: {  	[tilespmem:v33+s24+$0x0] =	vst.idx.msk $0xffff, v32  }
0x49: {  	v33 =	vor.u32 s26, v13;
	v32 =	vld [tilespmem:s25+$0xFFFFFFD0];
	_ =	sdelay $0x4  }
0x4a: {  	[tilespmem:v33+s24+$0x0] =	vst.idx.msk $0xffff, v32  }
0x4b: {  	v33 =	vor.u32 s26, v14;
	v32 =	vld [tilespmem:s25+$0xFFFFFFE0];
	_ =	sdelay $0x4  }
0x4c: {  	[tilespmem:v33+s24+$0x0] =	vst.idx.msk $0xffff, v32  }
0x4d: {  	v33 =	vor.u32 s26, v15;
	v32 =	vld [tilespmem:s25+$0xFFFFFFF0];
	_ =	sdelay $0x4  }
0x4e: {  	[tilespmem:v33+s24+$0x0] =	vst.idx.msk $0xffff, v32  }
0x4f: {  	v33 =	vor.u32 s26, v16;
	v32 =	vld [tilespmem:s25+$0x0];
	_ =	sdelay $0x4  }
0x50: {  	[tilespmem:v33+s24+$0x0] =	vst.idx.msk $0xffff, v32  }
0x51: {  	v33 =	vor.u32 s26, v17;
	v32 =	vld [tilespmem:s25+$0x10];
	_ =	sdelay $0x4  }
0x52: {  	[tilespmem:v33+s24+$0x0] =	vst.idx.msk $0xffff, v32  }
0x53: {  	v33 =	vor.u32 s26, v18;
	v32 =	vld [tilespmem:s25+$0x20];
	_ =	sdelay $0x4  }
0x54: {  	[tilespmem:v33+s24+$0x0] =	vst.idx.msk $0xffff, v32  }
0x55: {  	v33 =	vor.u32 s26, v19;
	v32 =	vld [tilespmem:s25+$0x30];
	_ =	sdelay $0x4  }
0x56: {  	[tilespmem:v33+s24+$0x0] =	vst.idx.msk $0xffff, v32  }
0x57: {  	v33 =	vor.u32 s26, v20;
	v32 =	vld [tilespmem:s25+$0x40];
	_ =	sdelay $0x4  }
0x58: {  	[tilespmem:v33+s24+$0x0] =	vst.idx.msk $0xffff, v32  }
0x59: {  	v33 =	vor.u32 s26, v21;
	v32 =	vld [tilespmem:s25+$0x50];
	_ =	sdelay $0x4  }
0x5a: {  	[tilespmem:v33+s24+$0x0] =	vst.idx.msk $0xffff, v32  }
0x5b: {  	v33 =	vor.u32 s26, v22;
	v32 =	vld [tilespmem:s25+$0x60];
	_ =	sdelay $0x4  }
0x5c: {  	[tilespmem:v33+s24+$0x0] =	vst.idx.msk $0xffff, v32  }
0x5d: {  	v33 =	vor.u32 s26, v23;
	v32 =	vld [tilespmem:s25+$0x70];
	_ =	sdelay $0x4  }
0x5e: {  	[tilespmem:v33+s24+$0x0] =	vst.idx.msk $0xffff, v32  }
0x5f: {  	v33 =	vor.u32 s26, v24;
	v32 =	vld [tilespmem:s25+$0x80];
	_ =	sdelay $0x4  }
0x60: {  	[tilespmem:v33+s24+$0x0] =	vst.idx.msk $0xffff, v32  }
0x61: {  	v33 =	vor.u32 s26, v25;
	v32 =	vld [tilespmem:s25+$0x90];
	_ =	sdelay $0x4  }
0x62: {  	[tilespmem:v33+s24+$0x0] =	vst.idx.msk $0xffff, v32  }
0x63: {  	v33 =	vor.u32 s26, v26;
	v32 =	vld [tilespmem:s25+$0xA0];
	_ =	sdelay $0x4  }
0x64: {  	[tilespmem:v33+s24+$0x0] =	vst.idx.msk $0xffff, v32  }
0x65: {  	v33 =	vor.u32 s26, v27;
	v32 =	vld [tilespmem:s25+$0xB0];
	_ =	sdelay $0x4  }
0x66: {  	[tilespmem:v33+s24+$0x0] =	vst.idx.msk $0xffff, v32  }
0x67: {  	v33 =	vor.u32 s26, v28;
	v32 =	vld [tilespmem:s25+$0xC0];
	_ =	sdelay $0x4  }
0x68: {  	[tilespmem:v33+s24+$0x0] =	vst.idx.msk $0xffff, v32  }
0x69: {  	v33 =	vor.u32 s26, v29;
	v32 =	vld [tilespmem:s25+$0xD0];
	_ =	sdelay $0x4  }
0x6a: {  	[tilespmem:v33+s24+$0x0] =	vst.idx.msk $0xffff, v32  }
0x6b: {  	v33 =	vor.u32 s26, v30;
	v32 =	vld [tilespmem:s25+$0xE0];
	_ =	sdelay $0x4  }
0x6c: {  	[tilespmem:v33+s24+$0x0] =	vst.idx.msk $0xffff, v32  }
0x6d: {  	v33 =	vor.u32 s26, v31;
	v32 =	vld [tilespmem:s25+$0xF0]  }
.Ltmp1:
0x6e: {  	(pc) =	sbr.rel @p1 .LBB2_5-.Ltmp1, $2  }
0x6f: {  	_ =	sdelay $0x2  }
0x70: {  	s26 =	sshll.u32 s28, $0x9;
	s28 =	sadd.s32 $0x1, s28;
	s25 =	sadd.s32 $0x200, s25;
	[tilespmem:v33+s24+$0x0] =	vst.idx.msk $0xffff, v32  }
0x71: {  	v32 =	vld [tilespmem:s25+$0xFFFFFF00];
	v33 =	vor.u32 s26, v0;
	_ =	sdelay $0x4  }
0x72: {  	[tilespmem:v33+s24+$0x0] =	vst.idx.msk $0xffff, v32  }
0x73: {  	v61 =	vor.u32 s26, v1;
	v32 =	vld [tilespmem:s25+$0xFFFFFF10];
	_ =	sdelay $0x4  }
0x74: {  	[tilespmem:v61+s24+$0x0] =	vst.idx.msk $0xffff, v32  }
0x75: {  	v62 =	vor.u32 s26, v2;
	v32 =	vld [tilespmem:s25+$0xFFFFFF20];
	_ =	sdelay $0x4  }
0x76: {  	[tilespmem:v62+s24+$0x0] =	vst.idx.msk $0xffff, v32  }
0x77: {  	v63 =	vor.u32 s26, v3;
	v32 =	vld [tilespmem:s25+$0xFFFFFF30];
	_ =	sdelay $0x4  }
0x78: {  	[tilespmem:v63+s24+$0x0] =	vst.idx.msk $0xffff, v32  }
0x79: {  	v36 =	vor.u32 s26, v4;
	v32 =	vld [tilespmem:s25+$0xFFFFFF40];
	_ =	sdelay $0x4  }
0x7a: {  	[tilespmem:v36+s24+$0x0] =	vst.idx.msk $0xffff, v32  }
0x7b: {  	v37 =	vor.u32 s26, v5;
	v32 =	vld [tilespmem:s25+$0xFFFFFF50];
	_ =	sdelay $0x4  }
0x7c: {  	[tilespmem:v37+s24+$0x0] =	vst.idx.msk $0xffff, v32  }
0x7d: {  	v38 =	vor.u32 s26, v6;
	v32 =	vld [tilespmem:s25+$0xFFFFFF60];
	_ =	sdelay $0x4  }
0x7e: {  	[tilespmem:v38+s24+$0x0] =	vst.idx.msk $0xffff, v32  }
0x7f: {  	v39 =	vor.u32 s26, v7;
	v32 =	vld [tilespmem:s25+$0xFFFFFF70];
	_ =	sdelay $0x4  }
0x80: {  	[tilespmem:v39+s24+$0x0] =	vst.idx.msk $0xffff, v32  }
0x81: {  	v40 =	vor.u32 s26, v8;
	v32 =	vld [tilespmem:s25+$0xFFFFFF80];
	_ =	sdelay $0x4  }
0x82: {  	[tilespmem:v40+s24+$0x0] =	vst.idx.msk $0xffff, v32  }
0x83: {  	v41 =	vor.u32 s26, v9;
	v32 =	vld [tilespmem:s25+$0xFFFFFF90];
	_ =	sdelay $0x4  }
0x84: {  	[tilespmem:v41+s24+$0x0] =	vst.idx.msk $0xffff, v32  }
0x85: {  	v42 =	vor.u32 s26, v10;
	v32 =	vld [tilespmem:s25+$0xFFFFFFA0];
	_ =	sdelay $0x4  }
0x86: {  	[tilespmem:v42+s24+$0x0] =	vst.idx.msk $0xffff, v32  }
0x87: {  	v43 =	vor.u32 s26, v11;
	v32 =	vld [tilespmem:s25+$0xFFFFFFB0];
	_ =	sdelay $0x4  }
0x88: {  	[tilespmem:v43+s24+$0x0] =	vst.idx.msk $0xffff, v32  }
0x89: {  	v44 =	vor.u32 s26, v12;
	v32 =	vld [tilespmem:s25+$0xFFFFFFC0];
	_ =	sdelay $0x4  }
0x8a: {  	[tilespmem:v44+s24+$0x0] =	vst.idx.msk $0xffff, v32  }
0x8b: {  	v45 =	vor.u32 s26, v13;
	v32 =	vld [tilespmem:s25+$0xFFFFFFD0];
	_ =	sdelay $0x4  }
0x8c: {  	[tilespmem:v45+s24+$0x0] =	vst.idx.msk $0xffff, v32  }
0x8d: {  	v46 =	vor.u32 s26, v14;
	v32 =	vld [tilespmem:s25+$0xFFFFFFE0];
	_ =	sdelay $0x4  }
0x8e: {  	[tilespmem:v46+s24+$0x0] =	vst.idx.msk $0xffff, v32  }
0x8f: {  	v47 =	vor.u32 s26, v15;
	v32 =	vld [tilespmem:s25+$0xFFFFFFF0];
	_ =	sdelay $0x4  }
0x90: {  	[tilespmem:v47+s24+$0x0] =	vst.idx.msk $0xffff, v32  }
0x91: {  	v48 =	vor.u32 s26, v16;
	v32 =	vld [tilespmem:s25+$0x0];
	_ =	sdelay $0x4  }
0x92: {  	[tilespmem:v48+s24+$0x0] =	vst.idx.msk $0xffff, v32  }
0x93: {  	v49 =	vor.u32 s26, v17;
	v32 =	vld [tilespmem:s25+$0x10];
	_ =	sdelay $0x4  }
0x94: {  	[tilespmem:v49+s24+$0x0] =	vst.idx.msk $0xffff, v32  }
0x95: {  	v50 =	vor.u32 s26, v18;
	v32 =	vld [tilespmem:s25+$0x20];
	_ =	sdelay $0x4  }
0x96: {  	[tilespmem:v50+s24+$0x0] =	vst.idx.msk $0xffff, v32  }
0x97: {  	v51 =	vor.u32 s26, v19;
	v32 =	vld [tilespmem:s25+$0x30];
	_ =	sdelay $0x4  }
0x98: {  	[tilespmem:v51+s24+$0x0] =	vst.idx.msk $0xffff, v32  }
0x99: {  	v52 =	vor.u32 s26, v20;
	v32 =	vld [tilespmem:s25+$0x40];
	_ =	sdelay $0x4  }
0x9a: {  	[tilespmem:v52+s24+$0x0] =	vst.idx.msk $0xffff, v32  }
0x9b: {  	v53 =	vor.u32 s26, v21;
	v32 =	vld [tilespmem:s25+$0x50];
	_ =	sdelay $0x4  }
0x9c: {  	[tilespmem:v53+s24+$0x0] =	vst.idx.msk $0xffff, v32  }
0x9d: {  	v54 =	vor.u32 s26, v22;
	v32 =	vld [tilespmem:s25+$0x60];
	_ =	sdelay $0x4  }
0x9e: {  	[tilespmem:v54+s24+$0x0] =	vst.idx.msk $0xffff, v32  }
0x9f: {  	v55 =	vor.u32 s26, v23;
	v32 =	vld [tilespmem:s25+$0x70];
	_ =	sdelay $0x4  }
0xa0: {  	[tilespmem:v55+s24+$0x0] =	vst.idx.msk $0xffff, v32  }
0xa1: {  	v56 =	vor.u32 s26, v24;
	v32 =	vld [tilespmem:s25+$0x80];
	_ =	sdelay $0x4  }
0xa2: {  	[tilespmem:v56+s24+$0x0] =	vst.idx.msk $0xffff, v32  }
0xa3: {  	v57 =	vor.u32 s26, v25;
	v32 =	vld [tilespmem:s25+$0x90];
	_ =	sdelay $0x4  }
0xa4: {  	[tilespmem:v57+s24+$0x0] =	vst.idx.msk $0xffff, v32  }
0xa5: {  	v58 =	vor.u32 s26, v26;
	v32 =	vld [tilespmem:s25+$0xA0];
	_ =	sdelay $0x4  }
0xa6: {  	[tilespmem:v58+s24+$0x0] =	vst.idx.msk $0xffff, v32  }
0xa7: {  	v59 =	vor.u32 s26, v27;
	v32 =	vld [tilespmem:s25+$0xB0];
	_ =	sdelay $0x4  }
0xa8: {  	[tilespmem:v59+s24+$0x0] =	vst.idx.msk $0xffff, v32  }
0xa9: {  	v60 =	vor.u32 s26, v28;
	v32 =	vld [tilespmem:s25+$0xC0];
	_ =	sdelay $0x4  }
0xaa: {  	[tilespmem:v60+s24+$0x0] =	vst.idx.msk $0xffff, v32  }
0xab: {  	v61 =	vor.u32 s26, v29;
	v32 =	vld [tilespmem:s25+$0xD0];
	_ =	sdelay $0x4  }
0xac: {  	[tilespmem:v61+s24+$0x0] =	vst.idx.msk $0xffff, v32  }
0xad: {  	v62 =	vor.u32 s26, v30;
	v32 =	vld [tilespmem:s25+$0xE0];
	_ =	sdelay $0x4  }
0xae: {  	[tilespmem:v62+s24+$0x0] =	vst.idx.msk $0xffff, v32  }
0xaf: {  	v63 =	vor.u32 s26, v31;
	v32 =	vld [tilespmem:s25+$0xF0];
	_ =	sdelay $0x1  }
0xb0: {  	s31 =	sshll.u32 s20, $0x4  }
0xb1: {  	s25 =	sadd.s32 s4, s31  }
0xb2: {  	p1 =	sgt.u32 s20, $0x5;
	s25 =	sshrl.u32 s25, $0x3  }
0xb3: {  	s22 =	sadd.s32 $0x3, s22;
	s26 =	smul.u32 @!p1 $0xC80, s20;
	s25 =	sadd.s32 s5, s25;
	[tilespmem:v63+s24+$0x0] =	vst.idx.msk $0xffff, v32  }
0xb4: {  	[hbm4b:s25+s16] =	stream.strided.scatter [tilespmem:s24], [sflag:s22], $0x6400, s9, s16, $0x38;
	[tilespmem:$0x1C200] =	vst v63  }
0xb5: {  	s22 =	sshra.s32 @!p1 s26, $0x2  }
0xb6: {  	s20 =	sadd.s32 $0x1, s20;
	s24 =	simm.s32 @!p1 $0x320;
	s22 =	sadd.s32 @!p1 $0x1F40, s22  }
0xb7: {  	[tilespmem:s23], [sflag:s21] =	stream.indirect.gather @!p1 [hbm4b:s2+s24], $0x20, s22, s24, $0xb8;
	[tilespmem:$0x1C200] =	vst v63  }
0xb8: {  	p1 =	sne.s32 s20, $0x8  }
.Ltmp2:
0xb9: {  	_ = 	snop;
	(pc) =	sbr.rel @p1 .LBB2_4-.Ltmp2, $2  }
0xba: {  	_ =	sdelay $0x2  }
0xbb: {  	p0 =	por !p0, !p0  }
0xbc: {  	s19 =	sadd.s32 $0x1, s19  }
0xbd: {  	_ =	swait.ge [sflag:s17], $0x6400;
	p0 =	sne.s32 s19, s7  }
.Ltmp3:
0xbe: {  	[sflag:s17] =	ssyncset.done $0x0;
	(pc) =	sbr.rel @p0 .LBB2_1-.Ltmp3, $4  }
0xbf: {  	[sflag:s17] =	ssyncadd.s32 $0xFFFF9C00  }
0xc0: {  	_ =	swait.ge [sflag:s18], $0x6400  }
0xc1: {  	[sflag:s18] =	ssyncset.done $0x0  }
0xc2: {  	[sflag:s18] =	ssyncadd.s32 $0xFFFF9C00  }
0xc3: {  	_ =	sfence.sel $0x180000  }
0xc4: {  	[bflag:$0x0] =	sbarrier.arrive $0xFFFF  }
0xc5: {  	p0 =	sne.s32 s0, $0x0;
	_ =	strace $0x90000047  }
0xc6: {  	s0 =	sadd.s32 @!p0 $0x100000, s1;
	[bflag:$0x2] =	sbarrier.arrive $0xFFFF  }
0xc7: {  	[sflag:s0] =	ssyncadd.tile.s32 @!p0 $0x1;
	_ =	shalt  }
.Lfunc_end2:
_tile_overlayer_lowered:
.L_overlay_start_2:
0xc8: {  	(tag) =	ssettag $0x2  }
0xc9: {  	s0 =	rddreg [dreg:$0x0];
	s2 =	stileid.u32  }
0xca: {  	s1 =	rddreg [dreg:$0x1];
	p0 =	sne.s32 s2, $0x0  }
0xcb: {  	s3 =	rddreg [dreg:$0x2];
	[bflag:$0x3] =	sbarrier.arrive $0xFFFF;
	s2 =	simm.s32 @!p0 $0x1C05  }
0xcc: {  	[timem:s3], [sflag:s2] =	dma.local @!p0 [hbm:s0], s1  }
0xcd: {  	s0 =	simm.s32 @!p0 $0x5  }
0xce: {  	_ =	swait.ge @!p0 [sflag:s0], s1  }
0xcf: {  	s1 =	ssub.s32 @!p0 $0x0, s1;
	[sflag:s0] =	ssyncset.done @!p0 $0x0  }
0xd0: {  	[sflag:s0] =	ssyncadd.s32 @!p0 s1  }
0xd1: {  	[bflag:$0x3] =	sbarrier.arrive $0xFFFF  }
0xd2: {  	_ =	shalt  }

</sc_bundles>
